<compile_context>
chip_gen: v7x
topology: tpu7x:2x2x1
jax: 0.10.2.dev20260603
libtpu: 0.0.44.dev20260713+nightly
codegen_flags: <defaults>
</compile_context>

<pallas_src>
import functools

import jax
import jax.numpy as jnp
from jax import lax
from jax.experimental import pallas as pl
from jax.experimental.pallas import tpu as pltpu

from jax.experimental.pallas import tpu_sc as plsc

ROW_TILE = 256


def _argmin_body(x_ref, e_ref, idx_ref, acc_ref, en_ref, ebf_ref):
    i = pl.program_id(0)
    x = x_ref[...]
    k = e_ref.shape[0]

    @pl.when(i == 0)
    def _():
        e = e_ref[...]
        en_ref[...] = jnp.sum(e * e, axis=1)[None, :]
        ebf_ref[...] = e.astype(jnp.bfloat16)
        acc_ref[...] = jnp.zeros_like(acc_ref)

    x2 = (2.0 * x).astype(jnp.bfloat16)
    xn = jnp.sum(x * x, axis=1, keepdims=True)
    en = en_ref[...]
    rt = x.shape[0]
    rh = rt // 2
    lw = 128
    ncol = k // lw
    nchunk = 8
    cpc = ncol // nchunk
    xn_h = [lax.slice(xn, (0, 0), (rh, 1)),
            lax.slice(xn, (rh, 0), (rt, 1))]
    scs = []
    r_val = [jnp.full((rh, lw), jnp.inf, jnp.float32) for _ in range(2)]
    r_col = [jnp.zeros((rh, lw), jnp.int32) for _ in range(2)]

    def scan_cols(h, c, sc_c):
        r0, r1 = h * rh, (h + 1) * rh
        for j in range(cpc):
            col = c * cpc + j
            s = lax.slice(sc_c, (r0, j * lw), (r1, (j + 1) * lw))
            cc = xn_h[h] - s + lax.slice(en, (0, col * lw), (1, (col + 1) * lw))
            lt = cc < r_val[h]
            r_val[h] = jnp.where(lt, cc, r_val[h])
            r_col[h] = jnp.where(lt, col, r_col[h])

    for c in range(nchunk):
        e_c = ebf_ref[pl.ds(c * cpc * lw, cpc * lw), :]
        sc_c = lax.dot_general(
            x2, e_c, (((1,), (1,)), ((), ())),
            preferred_element_type=jnp.float32)
        scs.append(sc_c)
        if c > 0:
            scan_cols(0, c - 1, scs[c - 1])
    scan_cols(0, nchunk - 1, scs[-1])
    for c in range(nchunk):
        scan_cols(1, c, scs[c])

    lane = lax.broadcasted_iota(jnp.int32, (rh, lw), 1)
    loss_sum = jnp.zeros((), jnp.float32)
    for h in range(2):
        mn = jnp.min(r_val[h], axis=1, keepdims=True)
        kc = r_col[h] * lw + lane
        idx = jnp.min(jnp.where(r_val[h] <= mn, kc, k), axis=1)
        idx_ref[0, 0, h * rh:(h + 1) * rh] = idx
        loss_sum = loss_sum + jnp.sum(mn)
    acc_ref[...] += loss_sum


def _argmin_call(flat, embed):
    m, d = flat.shape
    k = embed.shape[0]
    nt = m // ROW_TILE
    grid = (nt,)
    idx_out = jax.ShapeDtypeStruct((nt, 1, ROW_TILE), jnp.int32)
    acc_out = jax.ShapeDtypeStruct((1, 1), jnp.float32)
    return pl.pallas_call(
        _argmin_body,
        grid=grid,
        in_specs=[
            pl.BlockSpec((ROW_TILE, d), lambda i: (i, 0)),
            pl.BlockSpec((k, d), lambda i: (0, 0)),
        ],
        out_specs=[
            pl.BlockSpec((1, 1, ROW_TILE), lambda i: (i, 0, 0)),
            pl.BlockSpec((1, 1), lambda i: (0, 0)),
        ],
        out_shape=[idx_out, acc_out],
        scratch_shapes=[pltpu.VMEM((1, k), jnp.float32),
                        pltpu.VMEM((k, d), jnp.bfloat16)],
    )(flat, embed)


def _make_gather(k, d, b):
    info = plsc.get_sparse_core_info()
    nw = info.num_cores * info.num_subcores
    ch = 128
    b_per_w = b // nw
    n_chunks = b_per_w // ch
    mesh = plsc.VectorSubcoreMesh(core_axis_name="c", subcore_axis_name="s")

    @functools.partial(
        pl.kernel,
        mesh=mesh,
        out_type=jax.ShapeDtypeStruct((b, d), jnp.float32),
        scratch_types=[
            pltpu.VMEM((ch,), jnp.int32),
            pltpu.VMEM((ch, d), jnp.float32),
            pltpu.SemaphoreType.DMA,
        ],
    )
    def gather_k(table_hbm, idx_hbm, out_hbm, idx_v, rows_v, sem):
        wid = lax.axis_index("s") * info.num_cores + lax.axis_index("c")
        base = wid * b_per_w

        def chunk(c, carry):
            off = base + c * ch
            pltpu.sync_copy(idx_hbm.at[pl.ds(off, ch)], idx_v)
            pltpu.async_copy(table_hbm.at[idx_v], rows_v, sem).wait()
            pltpu.sync_copy(rows_v, out_hbm.at[pl.ds(off, ch)])
            return carry

        lax.fori_loop(0, n_chunks, chunk, 0)

    return gather_k


def kernel(z, embed):
    b, n, d = z.shape
    k = embed.shape[0]
    m = b * n
    flat = z.reshape(m, d)
    idx3, acc = _argmin_call(flat, embed)
    indices = idx3.reshape(m)
    zq_flat = _make_gather(k, d, m)(embed, indices)
    loss = acc[0, 0] * (2.0 / (m * d))
    return zq_flat.reshape(b, n, d), indices.reshape(b, n), loss

# --- scband reference (transcript-rebuilt; emitter-appended) ---
"""Pipeline reference for scband-codebook-71339406787459 (READ-ONLY COPY).

The authoritative reference and input builder live on the scoring server;
editing this copy changes nothing except your own understanding.
"""

import jax, jax.numpy as jnp
import numpy as np

NUM_CODES = 8192
DIM = 256

def setup_inputs(seed: int = 0) -> dict:
    key = jax.random.key(seed)
    k1, k2 = jax.random.split(key)
    z = jax.random.normal(k1, (32, 1024, 256), dtype=jnp.float32)
    embed = jax.random.normal(k2, (NUM_CODES, DIM), dtype=jnp.float32) / (DIM ** 0.5)
    return {"z": z, "embed": embed}

def reference(z, embed):
    B, N, D = z.shape
    flat = z.reshape(B * N, D)
    # squared-euclidean distance: ||x||^2 - 2 x.e + ||e||^2
    dist = (flat ** 2).sum(axis=1, keepdims=True) - 2.0 * (flat @ embed.T) + (embed ** 2).sum(axis=1)[None, :]
    indices = jnp.argmin(dist, axis=1)
    z_q = jnp.take(embed, indices, axis=0).reshape(B, N, D)
    z_q_st = z + jax.lax.stop_gradient(z_q - z)
    commitment = jnp.mean((jax.lax.stop_gradient(z_q) - z) ** 2)
    codebook_loss = jnp.mean((z_q - jax.lax.stop_gradient(z)) ** 2)
    loss = commitment + codebook_loss
    return (z_q_st, indices.reshape(B, N), loss)

if __name__ == "__main__":
    import jax
    _d = setup_inputs()
    print(jax.jit(kernel)(*tuple(_d.values())))

</pallas_src>

<mosaic_0001>
#map = affine_map<(d0, d1) -> (0, 0)>
#map1 = affine_map<(d0, d1) -> (0)>
module attributes {stable_mosaic.version = 14 : i64} {
  func.func @gather_k(%arg0: i32, %arg1: i32, %arg2: memref<8192x256xf32, #tpu.memory_space<hbm>>, %arg3: memref<32768xi32, #tpu.memory_space<hbm>>, %arg4: memref<32768x256xf32, #tpu.memory_space<hbm>>, %arg5: memref<128xi32, #tpu.memory_space<vmem>>, %arg6: memref<128x256xf32, #tpu.memory_space<vmem>>, %arg7: memref<!tpu.dma_semaphore, #tpu.memory_space<semaphore_mem>>) attributes {dimension_semantics = [#tpu.dimension_semantics<core_parallel>, #tpu.dimension_semantics<subcore_parallel>], iteration_bounds = array<i64: 2, 16>, scalar_prefetch = 0 : i64, scratch_operands = 3 : i64, tpu.core_type = #tpu.core_type<sc_vector_subcore>, window_params = [{transform_indices = #map}, {transform_indices = #map1}, {transform_indices = #map}]} {
    %mul3A = arith.constant 2 : i32
    %mul3A_0 = arith.muli %arg1, %mul3A : i32
    %add3A = arith.addi %mul3A_0, %arg0 : i32
    %mul3A_1 = arith.constant 1024 : i32
    %mul3A_2 = arith.muli %add3A, %mul3A_1 : i32
    %scan3A = arith.constant 0 : i32
    %scan3A_3 = arith.constant 0 : i32
    %scan3A_4 = arith.constant 8 : i32
    %scan3A_5 = arith.addi %scan3A_3, %scan3A_4 : i32
    %scan3A_6 = arith.constant 1 : i32
    scf.for %scan3A_8 = %scan3A_3 to %scan3A_5 step %scan3A_6  : i32 {
      %mul3A_9 = arith.constant 128 : i32
      %mul3A_10 = arith.muli %scan3A_8, %mul3A_9 : i32
      %add3A_11 = arith.addi %mul3A_2, %mul3A_10 : i32
      "tpu.region"() ({
        %run_scoped3A = tpu.sem_alloc : memref<!tpu.dma_semaphore, #tpu.memory_space<semaphore_mem>>
        %dma_start3A_16 = tpu.memref_slice %arg3[%add3A_11] : memref<32768xi32, #tpu.memory_space<hbm>> -> memref<128xi32, #tpu.memory_space<hbm>>
        %dma_start3A_17 = tpu.memref_slice %arg3[%add3A_11] : memref<32768xi32, #tpu.memory_space<hbm>> -> memref<128xi32, #tpu.memory_space<hbm>>
        tpu.enqueue_dma source(%dma_start3A_17 : memref<128xi32, #tpu.memory_space<hbm>>) target(%arg5 : memref<128xi32, #tpu.memory_space<vmem>>) target_semaphore(%run_scoped3A : memref<!tpu.dma_semaphore, #tpu.memory_space<semaphore_mem>>)
        %dma_wait3A_18 = tpu.memref_slice %arg3[%add3A_11] : memref<32768xi32, #tpu.memory_space<hbm>> -> memref<128xi32, #tpu.memory_space<hbm>>
        %dma_wait3A_19 = tpu.memref_slice %arg3[%add3A_11] : memref<32768xi32, #tpu.memory_space<hbm>> -> memref<128xi32, #tpu.memory_space<hbm>>
        tpu.wait_dma2 semaphore(%run_scoped3A : memref<!tpu.dma_semaphore, #tpu.memory_space<semaphore_mem>>) src(%dma_wait3A_19 : memref<128xi32, #tpu.memory_space<hbm>>) dst(%arg5 : memref<128xi32, #tpu.memory_space<vmem>>)
        tpu.yield
      }) : () -> ()
      %dma_start3A = arith.constant 0 : i32
      %dma_start3A_12 = arith.constant 0 : i32
      %dma_start3A_13 = tpu.memref_slice %arg2[%dma_start3A, %dma_start3A_12] : memref<8192x256xf32, #tpu.memory_space<hbm>> -> memref<8192x256xf32, #tpu.memory_space<hbm>>
      tpu.enqueue_indirect_dma source(%dma_start3A_13 : memref<8192x256xf32, #tpu.memory_space<hbm>>) target(%arg6 : memref<128x256xf32, #tpu.memory_space<vmem>>) offsets(%arg5 : memref<128xi32, #tpu.memory_space<vmem>>) semaphore(%arg7 : memref<!tpu.dma_semaphore, #tpu.memory_space<semaphore_mem>>)
      %dma_wait3A = arith.constant 0 : i32
      %dma_wait3A_14 = arith.constant 0 : i32
      %dma_wait3A_15 = tpu.memref_slice %arg2[%dma_wait3A, %dma_wait3A_14] : memref<8192x256xf32, #tpu.memory_space<hbm>> -> memref<8192x256xf32, #tpu.memory_space<hbm>>
      tpu.wait_indirect_dma semaphore(%arg7 : memref<!tpu.dma_semaphore, #tpu.memory_space<semaphore_mem>>) src(%dma_wait3A_15 : memref<8192x256xf32, #tpu.memory_space<hbm>>) dst(%arg6 : memref<128x256xf32, #tpu.memory_space<vmem>>)
      "tpu.region"() ({
        %run_scoped3A = tpu.sem_alloc : memref<!tpu.dma_semaphore, #tpu.memory_space<semaphore_mem>>
        %dma_start3A_16 = arith.constant 0 : i32
        %dma_start3A_17 = tpu.memref_slice %arg4[%add3A_11, %dma_start3A_16] : memref<32768x256xf32, #tpu.memory_space<hbm>> -> memref<128x256xf32, #tpu.memory_space<hbm>>
        %dma_start3A_18 = arith.constant 0 : i32
        %dma_start3A_19 = tpu.memref_slice %arg4[%add3A_11, %dma_start3A_18] : memref<32768x256xf32, #tpu.memory_space<hbm>> -> memref<128x256xf32, #tpu.memory_space<hbm>>
        tpu.enqueue_dma source(%arg6 : memref<128x256xf32, #tpu.memory_space<vmem>>) target(%dma_start3A_19 : memref<128x256xf32, #tpu.memory_space<hbm>>) target_semaphore(%run_scoped3A : memref<!tpu.dma_semaphore, #tpu.memory_space<semaphore_mem>>)
        %dma_wait3A_20 = arith.constant 0 : i32
        %dma_wait3A_21 = tpu.memref_slice %arg4[%add3A_11, %dma_wait3A_20] : memref<32768x256xf32, #tpu.memory_space<hbm>> -> memref<128x256xf32, #tpu.memory_space<hbm>>
        %dma_wait3A_22 = arith.constant 0 : i32
        %dma_wait3A_23 = tpu.memref_slice %arg4[%add3A_11, %dma_wait3A_22] : memref<32768x256xf32, #tpu.memory_space<hbm>> -> memref<128x256xf32, #tpu.memory_space<hbm>>
        tpu.wait_dma2 semaphore(%run_scoped3A : memref<!tpu.dma_semaphore, #tpu.memory_space<semaphore_mem>>) src(%arg6 : memref<128x256xf32, #tpu.memory_space<vmem>>) dst(%dma_wait3A_23 : memref<128x256xf32, #tpu.memory_space<hbm>>)
        tpu.yield
      }) : () -> ()
    }
    %scan3A_7 = arith.constant 8 : i32
    return
  }
}

module attributes {stable_mosaic.version = 14 : i64} {
  func.func @_argmin_body(%arg0: i32, %arg1: memref<256x256xf32, #tpu.memory_space<vmem>>, %arg2: memref<8192x256xf32, #tpu.memory_space<vmem>>, %arg3: memref<1x1x256xi32, #tpu.memory_space<vmem>>, %arg4: memref<1x1xf32, #tpu.memory_space<vmem>>, %arg5: memref<1x8192xf32, #tpu.memory_space<vmem>>, %arg6: memref<8192x256xbf16, #tpu.memory_space<vmem>>) attributes {dimension_semantics = [#tpu.dimension_semantics<arbitrary>], iteration_bounds = array<i64: 128>, scalar_prefetch = 0 : i64, scratch_operands = 2 : i64, tpu.core_type = #tpu.core_type<tc>, window_params = [{transform_indices = @transform_0, window_bounds = array<i64: 256, 256>}, {pipeline_mode = #tpu.pipeline_mode<synchronous>, transform_indices = @transform_1, window_bounds = array<i64: 8192, 256>}, {transform_indices = @transform_2, window_bounds = array<i64: 1, 1, 256>}, {pipeline_mode = #tpu.pipeline_mode<synchronous>, transform_indices = @transform_3, window_bounds = array<i64: 1, 1>}]} {
    %get3A = arith.constant 0 : index
    %get3A_0 = arith.constant 0 : index
    %get3A_1 = vector.load %arg1[%get3A, %get3A_0] : memref<256x256xf32, #tpu.memory_space<vmem>>, vector<256x256xf32>
    %eq3A = arith.constant 0 : i32
    %eq3A_2 = arith.cmpi eq, %arg0, %eq3A : i32
    %convert_element_type3A = arith.extui %eq3A_2 : i1 to i32
    %cond3A = arith.constant 0 : i32
    %cond3A_3 = arith.cmpi ne, %convert_element_type3A, %cond3A : i32
    scf.if %cond3A_3 {
      %get3A_1521 = arith.constant 0 : index
      %get3A_1522 = arith.constant 0 : index
      %get3A_1523 = vector.load %arg2[%get3A_1521, %get3A_1522] : memref<8192x256xf32, #tpu.memory_space<vmem>>, vector<8192x256xf32>
      %mul3A_1524 = arith.mulf %get3A_1523, %get3A_1523 : vector<8192x256xf32>
      %reduce_sum3A_1525 = arith.constant dense<0.000000e+00> : vector<8192xf32>
      %reduce_sum3A_1526 = vector.multi_reduction <add>, %mul3A_1524, %reduce_sum3A_1525 [1] : vector<8192x256xf32> to vector<8192xf32>
      %broadcast_in_dim3A_1527 = vector.shape_cast %reduce_sum3A_1526 : vector<8192xf32> to vector<1x8192xf32>
      %swap3A_1528 = arith.constant 0 : index
      %swap3A_1529 = arith.constant 0 : index
      %swap3A_1530 = vector.load %arg5[%swap3A_1528, %swap3A_1529] : memref<1x8192xf32, #tpu.memory_space<vmem>>, vector<1x8192xf32>
      tpu.vector_store %arg5[%swap3A_1528, %swap3A_1529], %broadcast_in_dim3A_1527 {strides = array<i32>} : memref<1x8192xf32, #tpu.memory_space<vmem>>, vector<1x8192xf32>,
      %convert_element_type3A_1531 = arith.truncf %get3A_1523 : vector<8192x256xf32> to vector<8192x256xbf16>
      %swap3A_1532 = arith.constant 0 : index
      %swap3A_1533 = arith.constant 0 : index
      %swap3A_1534 = vector.load %arg6[%swap3A_1532, %swap3A_1533] : memref<8192x256xbf16, #tpu.memory_space<vmem>>, vector<8192x256xbf16>
      tpu.vector_store %arg6[%swap3A_1532, %swap3A_1533], %convert_element_type3A_1531 {strides = array<i32>} : memref<8192x256xbf16, #tpu.memory_space<vmem>>, vector<8192x256xbf16>,
      %broadcast_in_dim3A_1535 = arith.constant 0.000000e+00 : f32
      %broadcast_in_dim3A_1536 = vector.broadcast %broadcast_in_dim3A_1535 : f32 to vector<1x1xf32>
      %swap3A_1537 = arith.constant 0 : index
      %swap3A_1538 = arith.constant 0 : index
      %swap3A_1539 = vector.load %arg4[%swap3A_1537, %swap3A_1538] : memref<1x1xf32, #tpu.memory_space<vmem>>, vector<1x1xf32>
      tpu.vector_store %arg4[%swap3A_1537, %swap3A_1538], %broadcast_in_dim3A_1536 {strides = array<i32>} : memref<1x1xf32, #tpu.memory_space<vmem>>, vector<1x1xf32>,
    } else {
    }
    %mul3A = arith.constant 2.000000e+00 : f32
    %mul3A_4 = vector.broadcast %mul3A : f32 to vector<256x256xf32>
    %mul3A_5 = arith.mulf %mul3A_4, %get3A_1 : vector<256x256xf32>
    %convert_element_type3A_6 = arith.truncf %mul3A_5 : vector<256x256xf32> to vector<256x256xbf16>
    %mul3A_7 = arith.mulf %get3A_1, %get3A_1 : vector<256x256xf32>
    %reduce_sum3A = arith.constant dense<0.000000e+00> : vector<256xf32>
    %reduce_sum3A_8 = vector.multi_reduction <add>, %mul3A_7, %reduce_sum3A [1] : vector<256x256xf32> to vector<256xf32>
    %broadcast_in_dim3A = vector.shape_cast %reduce_sum3A_8 : vector<256xf32> to vector<256x1xf32>
    %get3A_9 = arith.constant 0 : index
    %get3A_10 = arith.constant 0 : index
    %get3A_11 = vector.load %arg5[%get3A_9, %get3A_10] : memref<1x8192xf32, #tpu.memory_space<vmem>>, vector<1x8192xf32>
    %slice3A = vector.extract_strided_slice %broadcast_in_dim3A {offsets = [0, 0], sizes = [128, 1], strides = [1, 1]} : vector<256x1xf32> to vector<128x1xf32>
    %slice3A_12 = vector.extract_strided_slice %broadcast_in_dim3A {offsets = [128, 0], sizes = [128, 1], strides = [1, 1]} : vector<256x1xf32> to vector<128x1xf32>
    %broadcast_in_dim3A_13 = arith.constant 0x7F800000 : f32
    %broadcast_in_dim3A_14 = vector.broadcast %broadcast_in_dim3A_13 : f32 to vector<128x128xf32>
    %broadcast_in_dim3A_15 = arith.constant 0x7F800000 : f32
    %broadcast_in_dim3A_16 = vector.broadcast %broadcast_in_dim3A_15 : f32 to vector<128x128xf32>
    %broadcast_in_dim3A_17 = arith.constant 0 : i32
    %broadcast_in_dim3A_18 = vector.broadcast %broadcast_in_dim3A_17 : i32 to vector<128x128xi32>
    %broadcast_in_dim3A_19 = arith.constant 0 : i32
    %broadcast_in_dim3A_20 = vector.broadcast %broadcast_in_dim3A_19 : i32 to vector<128x128xi32>
    %get3A_21 = arith.constant 0 : index
    %get3A_22 = arith.constant 0 : index
    %get3A_23 = vector.load %arg6[%get3A_21, %get3A_22] : memref<8192x256xbf16, #tpu.memory_space<vmem>>, vector<1024x256xbf16>
    %dot_general3A = arith.constant dense<0.000000e+00> : vector<256x1024xf32>
    %dot_general3A_24 = tpu.matmul %convert_element_type3A_6, %get3A_23, %dot_general3A {dimension_numbers = #tpu.dot_dimension_numbers<[1], [1], [0], [0], [0, 0, 1, 0], [], []>, transpose_lhs_hint = false} : vector<256x256xbf16>, vector<1024x256xbf16>, vector<256x1024xf32> -> vector<256x1024xf32>
    %get3A_25 = arith.constant 1024 : index
    %get3A_26 = arith.constant 0 : index
    %get3A_27 = vector.load %arg6[%get3A_25, %get3A_26] : memref<8192x256xbf16, #tpu.memory_space<vmem>>, vector<1024x256xbf16>
    %dot_general3A_28 = arith.constant dense<0.000000e+00> : vector<256x1024xf32>
    %dot_general3A_29 = tpu.matmul %convert_element_type3A_6, %get3A_27, %dot_general3A_28 {dimension_numbers = #tpu.dot_dimension_numbers<[1], [1], [0], [0], [0, 0, 1, 0], [], []>, transpose_lhs_hint = false} : vector<256x256xbf16>, vector<1024x256xbf16>, vector<256x1024xf32> -> vector<256x1024xf32>
    %slice3A_30 = vector.extract_strided_slice %dot_general3A_24 {offsets = [0, 0], sizes = [128, 128], strides = [1, 1]} : vector<256x1024xf32> to vector<128x128xf32>
    %sub3A = vector.broadcast %slice3A : vector<128x1xf32> to vector<128x128xf32>
    %sub3A_31 = arith.subf %sub3A, %slice3A_30 : vector<128x128xf32>
    %slice3A_32 = vector.extract_strided_slice %get3A_11 {offsets = [0, 0], sizes = [1, 128], strides = [1, 1]} : vector<1x8192xf32> to vector<1x128xf32>
    %add3A = vector.broadcast %slice3A_32 : vector<1x128xf32> to vector<128x128xf32>
    %add3A_33 = arith.addf %sub3A_31, %add3A : vector<128x128xf32>
    %lt3A = arith.cmpf olt, %add3A_33, %broadcast_in_dim3A_14 : vector<128x128xf32>
    %select_n3A = arith.select %lt3A, %add3A_33, %broadcast_in_dim3A_14 : vector<128x128xi1>, vector<128x128xf32>
    %jit3A = arith.constant 0 : i32
    %broadcast_in_dim3A_34 = vector.broadcast %jit3A : i32 to vector<128x128xi32>
    %select_n3A_35 = arith.select %lt3A, %broadcast_in_dim3A_34, %broadcast_in_dim3A_18 : vector<128x128xi1>, vector<128x128xi32>
    %slice3A_36 = vector.extract_strided_slice %dot_general3A_24 {offsets = [0, 128], sizes = [128, 128], strides = [1, 1]} : vector<256x1024xf32> to vector<128x128xf32>
    %sub3A_37 = vector.broadcast %slice3A : vector<128x1xf32> to vector<128x128xf32>
    %sub3A_38 = arith.subf %sub3A_37, %slice3A_36 : vector<128x128xf32>
    %slice3A_39 = vector.extract_strided_slice %get3A_11 {offsets = [0, 128], sizes = [1, 128], strides = [1, 1]} : vector<1x8192xf32> to vector<1x128xf32>
    %add3A_40 = vector.broadcast %slice3A_39 : vector<1x128xf32> to vector<128x128xf32>
    %add3A_41 = arith.addf %sub3A_38, %add3A_40 : vector<128x128xf32>
    %lt3A_42 = arith.cmpf olt, %add3A_41, %select_n3A : vector<128x128xf32>
    %select_n3A_43 = arith.select %lt3A_42, %add3A_41, %select_n3A : vector<128x128xi1>, vector<128x128xf32>
    %jit3A_44 = arith.constant 1 : i32
    %broadcast_in_dim3A_45 = vector.broadcast %jit3A_44 : i32 to vector<128x128xi32>
    %select_n3A_46 = arith.select %lt3A_42, %broadcast_in_dim3A_45, %select_n3A_35 : vector<128x128xi1>, vector<128x128xi32>
    %slice3A_47 = vector.extract_strided_slice %dot_general3A_24 {offsets = [0, 256], sizes = [128, 128], strides = [1, 1]} : vector<256x1024xf32> to vector<128x128xf32>
    %sub3A_48 = vector.broadcast %slice3A : vector<128x1xf32> to vector<128x128xf32>
    %sub3A_49 = arith.subf %sub3A_48, %slice3A_47 : vector<128x128xf32>
    %slice3A_50 = vector.extract_strided_slice %get3A_11 {offsets = [0, 256], sizes = [1, 128], strides = [1, 1]} : vector<1x8192xf32> to vector<1x128xf32>
    %add3A_51 = vector.broadcast %slice3A_50 : vector<1x128xf32> to vector<128x128xf32>
    %add3A_52 = arith.addf %sub3A_49, %add3A_51 : vector<128x128xf32>
    %lt3A_53 = arith.cmpf olt, %add3A_52, %select_n3A_43 : vector<128x128xf32>
    %select_n3A_54 = arith.select %lt3A_53, %add3A_52, %select_n3A_43 : vector<128x128xi1>, vector<128x128xf32>
    %jit3A_55 = arith.constant 2 : i32
    %broadcast_in_dim3A_56 = vector.broadcast %jit3A_55 : i32 to vector<128x128xi32>
    %select_n3A_57 = arith.select %lt3A_53, %broadcast_in_dim3A_56, %select_n3A_46 : vector<128x128xi1>, vector<128x128xi32>
    %slice3A_58 = vector.extract_strided_slice %dot_general3A_24 {offsets = [0, 384], sizes = [128, 128], strides = [1, 1]} : vector<256x1024xf32> to vector<128x128xf32>
    %sub3A_59 = vector.broadcast %slice3A : vector<128x1xf32> to vector<128x128xf32>
    %sub3A_60 = arith.subf %sub3A_59, %slice3A_58 : vector<128x128xf32>
    %slice3A_61 = vector.extract_strided_slice %get3A_11 {offsets = [0, 384], sizes = [1, 128], strides = [1, 1]} : vector<1x8192xf32> to vector<1x128xf32>
    %add3A_62 = vector.broadcast %slice3A_61 : vector<1x128xf32> to vector<128x128xf32>
    %add3A_63 = arith.addf %sub3A_60, %add3A_62 : vector<128x128xf32>
    %lt3A_64 = arith.cmpf olt, %add3A_63, %select_n3A_54 : vector<128x128xf32>
    %select_n3A_65 = arith.select %lt3A_64, %add3A_63, %select_n3A_54 : vector<128x128xi1>, vector<128x128xf32>
    %jit3A_66 = arith.constant 3 : i32
    %broadcast_in_dim3A_67 = vector.broadcast %jit3A_66 : i32 to vector<128x128xi32>
    %select_n3A_68 = arith.select %lt3A_64, %broadcast_in_dim3A_67, %select_n3A_57 : vector<128x128xi1>, vector<128x128xi32>
    %slice3A_69 = vector.extract_strided_slice %dot_general3A_24 {offsets = [0, 512], sizes = [128, 128], strides = [1, 1]} : vector<256x1024xf32> to vector<128x128xf32>
    %sub3A_70 = vector.broadcast %slice3A : vector<128x1xf32> to vector<128x128xf32>
    %sub3A_71 = arith.subf %sub3A_70, %slice3A_69 : vector<128x128xf32>
    %slice3A_72 = vector.extract_strided_slice %get3A_11 {offsets = [0, 512], sizes = [1, 128], strides = [1, 1]} : vector<1x8192xf32> to vector<1x128xf32>
    %add3A_73 = vector.broadcast %slice3A_72 : vector<1x128xf32> to vector<128x128xf32>
    %add3A_74 = arith.addf %sub3A_71, %add3A_73 : vector<128x128xf32>
    %lt3A_75 = arith.cmpf olt, %add3A_74, %select_n3A_65 : vector<128x128xf32>
    %select_n3A_76 = arith.select %lt3A_75, %add3A_74, %select_n3A_65 : vector<128x128xi1>, vector<128x128xf32>
    %jit3A_77 = arith.constant 4 : i32
    %broadcast_in_dim3A_78 = vector.broadcast %jit3A_77 : i32 to vector<128x128xi32>
    %select_n3A_79 = arith.select %lt3A_75, %broadcast_in_dim3A_78, %select_n3A_68 : vector<128x128xi1>, vector<128x128xi32>
    %slice3A_80 = vector.extract_strided_slice %dot_general3A_24 {offsets = [0, 640], sizes = [128, 128], strides = [1, 1]} : vector<256x1024xf32> to vector<128x128xf32>
    %sub3A_81 = vector.broadcast %slice3A : vector<128x1xf32> to vector<128x128xf32>
    %sub3A_82 = arith.subf %sub3A_81, %slice3A_80 : vector<128x128xf32>
    %slice3A_83 = vector.extract_strided_slice %get3A_11 {offsets = [0, 640], sizes = [1, 128], strides = [1, 1]} : vector<1x8192xf32> to vector<1x128xf32>
    %add3A_84 = vector.broadcast %slice3A_83 : vector<1x128xf32> to vector<128x128xf32>
    %add3A_85 = arith.addf %sub3A_82, %add3A_84 : vector<128x128xf32>
    %lt3A_86 = arith.cmpf olt, %add3A_85, %select_n3A_76 : vector<128x128xf32>
    %select_n3A_87 = arith.select %lt3A_86, %add3A_85, %select_n3A_76 : vector<128x128xi1>, vector<128x128xf32>
    %jit3A_88 = arith.constant 5 : i32
    %broadcast_in_dim3A_89 = vector.broadcast %jit3A_88 : i32 to vector<128x128xi32>
    %select_n3A_90 = arith.select %lt3A_86, %broadcast_in_dim3A_89, %select_n3A_79 : vector<128x128xi1>, vector<128x128xi32>
    %slice3A_91 = vector.extract_strided_slice %dot_general3A_24 {offsets = [0, 768], sizes = [128, 128], strides = [1, 1]} : vector<256x1024xf32> to vector<128x128xf32>
    %sub3A_92 = vector.broadcast %slice3A : vector<128x1xf32> to vector<128x128xf32>
    %sub3A_93 = arith.subf %sub3A_92, %slice3A_91 : vector<128x128xf32>
    %slice3A_94 = vector.extract_strided_slice %get3A_11 {offsets = [0, 768], sizes = [1, 128], strides = [1, 1]} : vector<1x8192xf32> to vector<1x128xf32>
    %add3A_95 = vector.broadcast %slice3A_94 : vector<1x128xf32> to vector<128x128xf32>
    %add3A_96 = arith.addf %sub3A_93, %add3A_95 : vector<128x128xf32>
    %lt3A_97 = arith.cmpf olt, %add3A_96, %select_n3A_87 : vector<128x128xf32>
    %select_n3A_98 = arith.select %lt3A_97, %add3A_96, %select_n3A_87 : vector<128x128xi1>, vector<128x128xf32>
    %jit3A_99 = arith.constant 6 : i32
    %broadcast_in_dim3A_100 = vector.broadcast %jit3A_99 : i32 to vector<128x128xi32>
    %select_n3A_101 = arith.select %lt3A_97, %broadcast_in_dim3A_100, %select_n3A_90 : vector<128x128xi1>, vector<128x128xi32>
    %slice3A_102 = vector.extract_strided_slice %dot_general3A_24 {offsets = [0, 896], sizes = [128, 128], strides = [1, 1]} : vector<256x1024xf32> to vector<128x128xf32>
    %sub3A_103 = vector.broadcast %slice3A : vector<128x1xf32> to vector<128x128xf32>
    %sub3A_104 = arith.subf %sub3A_103, %slice3A_102 : vector<128x128xf32>
    %slice3A_105 = vector.extract_strided_slice %get3A_11 {offsets = [0, 896], sizes = [1, 128], strides = [1, 1]} : vector<1x8192xf32> to vector<1x128xf32>
    %add3A_106 = vector.broadcast %slice3A_105 : vector<1x128xf32> to vector<128x128xf32>
    %add3A_107 = arith.addf %sub3A_104, %add3A_106 : vector<128x128xf32>
    %lt3A_108 = arith.cmpf olt, %add3A_107, %select_n3A_98 : vector<128x128xf32>
    %select_n3A_109 = arith.select %lt3A_108, %add3A_107, %select_n3A_98 : vector<128x128xi1>, vector<128x128xf32>
    %jit3A_110 = arith.constant 7 : i32
    %broadcast_in_dim3A_111 = vector.broadcast %jit3A_110 : i32 to vector<128x128xi32>
    %select_n3A_112 = arith.select %lt3A_108, %broadcast_in_dim3A_111, %select_n3A_101 : vector<128x128xi1>, vector<128x128xi32>
    %get3A_113 = arith.constant 2048 : index
    %get3A_114 = arith.constant 0 : index
    %get3A_115 = vector.load %arg6[%get3A_113, %get3A_114] : memref<8192x256xbf16, #tpu.memory_space<vmem>>, vector<1024x256xbf16>
    %dot_general3A_116 = arith.constant dense<0.000000e+00> : vector<256x1024xf32>
    %dot_general3A_117 = tpu.matmul %convert_element_type3A_6, %get3A_115, %dot_general3A_116 {dimension_numbers = #tpu.dot_dimension_numbers<[1], [1], [0], [0], [0, 0, 1, 0], [], []>, transpose_lhs_hint = false} : vector<256x256xbf16>, vector<1024x256xbf16>, vector<256x1024xf32> -> vector<256x1024xf32>
    %slice3A_118 = vector.extract_strided_slice %dot_general3A_29 {offsets = [0, 0], sizes = [128, 128], strides = [1, 1]} : vector<256x1024xf32> to vector<128x128xf32>
    %sub3A_119 = vector.broadcast %slice3A : vector<128x1xf32> to vector<128x128xf32>
    %sub3A_120 = arith.subf %sub3A_119, %slice3A_118 : vector<128x128xf32>
    %slice3A_121 = vector.extract_strided_slice %get3A_11 {offsets = [0, 1024], sizes = [1, 128], strides = [1, 1]} : vector<1x8192xf32> to vector<1x128xf32>
    %add3A_122 = vector.broadcast %slice3A_121 : vector<1x128xf32> to vector<128x128xf32>
    %add3A_123 = arith.addf %sub3A_120, %add3A_122 : vector<128x128xf32>
    %lt3A_124 = arith.cmpf olt, %add3A_123, %select_n3A_109 : vector<128x128xf32>
    %select_n3A_125 = arith.select %lt3A_124, %add3A_123, %select_n3A_109 : vector<128x128xi1>, vector<128x128xf32>
    %jit3A_126 = arith.constant 8 : i32
    %broadcast_in_dim3A_127 = vector.broadcast %jit3A_126 : i32 to vector<128x128xi32>
    %select_n3A_128 = arith.select %lt3A_124, %broadcast_in_dim3A_127, %select_n3A_112 : vector<128x128xi1>, vector<128x128xi32>
    %slice3A_129 = vector.extract_strided_slice %dot_general3A_29 {offsets = [0, 128], sizes = [128, 128], strides = [1, 1]} : vector<256x1024xf32> to vector<128x128xf32>
    %sub3A_130 = vector.broadcast %slice3A : vector<128x1xf32> to vector<128x128xf32>
    %sub3A_131 = arith.subf %sub3A_130, %slice3A_129 : vector<128x128xf32>
    %slice3A_132 = vector.extract_strided_slice %get3A_11 {offsets = [0, 1152], sizes = [1, 128], strides = [1, 1]} : vector<1x8192xf32> to vector<1x128xf32>
    %add3A_133 = vector.broadcast %slice3A_132 : vector<1x128xf32> to vector<128x128xf32>
    %add3A_134 = arith.addf %sub3A_131, %add3A_133 : vector<128x128xf32>
    %lt3A_135 = arith.cmpf olt, %add3A_134, %select_n3A_125 : vector<128x128xf32>
    %select_n3A_136 = arith.select %lt3A_135, %add3A_134, %select_n3A_125 : vector<128x128xi1>, vector<128x128xf32>
    %jit3A_137 = arith.constant 9 : i32
    %broadcast_in_dim3A_138 = vector.broadcast %jit3A_137 : i32 to vector<128x128xi32>
    %select_n3A_139 = arith.select %lt3A_135, %broadcast_in_dim3A_138, %select_n3A_128 : vector<128x128xi1>, vector<128x128xi32>
    %slice3A_140 = vector.extract_strided_slice %dot_general3A_29 {offsets = [0, 256], sizes = [128, 128], strides = [1, 1]} : vector<256x1024xf32> to vector<128x128xf32>
    %sub3A_141 = vector.broadcast %slice3A : vector<128x1xf32> to vector<128x128xf32>
    %sub3A_142 = arith.subf %sub3A_141, %slice3A_140 : vector<128x128xf32>
    %slice3A_143 = vector.extract_strided_slice %get3A_11 {offsets = [0, 1280], sizes = [1, 128], strides = [1, 1]} : vector<1x8192xf32> to vector<1x128xf32>
    %add3A_144 = vector.broadcast %slice3A_143 : vector<1x128xf32> to vector<128x128xf32>
    %add3A_145 = arith.addf %sub3A_142, %add3A_144 : vector<128x128xf32>
    %lt3A_146 = arith.cmpf olt, %add3A_145, %select_n3A_136 : vector<128x128xf32>
    %select_n3A_147 = arith.select %lt3A_146, %add3A_145, %select_n3A_136 : vector<128x128xi1>, vector<128x128xf32>
    %jit3A_148 = arith.constant 10 : i32
    %broadcast_in_dim3A_149 = vector.broadcast %jit3A_148 : i32 to vector<128x128xi32>
    %select_n3A_150 = arith.select %lt3A_146, %broadcast_in_dim3A_149, %select_n3A_139 : vector<128x128xi1>, vector<128x128xi32>
    %slice3A_151 = vector.extract_strided_slice %dot_general3A_29 {offsets = [0, 384], sizes = [128, 128], strides = [1, 1]} : vector<256x1024xf32> to vector<128x128xf32>
    %sub3A_152 = vector.broadcast %slice3A : vector<128x1xf32> to vector<128x128xf32>
    %sub3A_153 = arith.subf %sub3A_152, %slice3A_151 : vector<128x128xf32>
    %slice3A_154 = vector.extract_strided_slice %get3A_11 {offsets = [0, 1408], sizes = [1, 128], strides = [1, 1]} : vector<1x8192xf32> to vector<1x128xf32>
    %add3A_155 = vector.broadcast %slice3A_154 : vector<1x128xf32> to vector<128x128xf32>
    %add3A_156 = arith.addf %sub3A_153, %add3A_155 : vector<128x128xf32>
    %lt3A_157 = arith.cmpf olt, %add3A_156, %select_n3A_147 : vector<128x128xf32>
    %select_n3A_158 = arith.select %lt3A_157, %add3A_156, %select_n3A_147 : vector<128x128xi1>, vector<128x128xf32>
    %jit3A_159 = arith.constant 11 : i32
    %broadcast_in_dim3A_160 = vector.broadcast %jit3A_159 : i32 to vector<128x128xi32>
    %select_n3A_161 = arith.select %lt3A_157, %broadcast_in_dim3A_160, %select_n3A_150 : vector<128x128xi1>, vector<128x128xi32>
    %slice3A_162 = vector.extract_strided_slice %dot_general3A_29 {offsets = [0, 512], sizes = [128, 128], strides = [1, 1]} : vector<256x1024xf32> to vector<128x128xf32>
    %sub3A_163 = vector.broadcast %slice3A : vector<128x1xf32> to vector<128x128xf32>
    %sub3A_164 = arith.subf %sub3A_163, %slice3A_162 : vector<128x128xf32>
    %slice3A_165 = vector.extract_strided_slice %get3A_11 {offsets = [0, 1536], sizes = [1, 128], strides = [1, 1]} : vector<1x8192xf32> to vector<1x128xf32>
    %add3A_166 = vector.broadcast %slice3A_165 : vector<1x128xf32> to vector<128x128xf32>
    %add3A_167 = arith.addf %sub3A_164, %add3A_166 : vector<128x128xf32>
    %lt3A_168 = arith.cmpf olt, %add3A_167, %select_n3A_158 : vector<128x128xf32>
    %select_n3A_169 = arith.select %lt3A_168, %add3A_167, %select_n3A_158 : vector<128x128xi1>, vector<128x128xf32>
    %jit3A_170 = arith.constant 12 : i32
    %broadcast_in_dim3A_171 = vector.broadcast %jit3A_170 : i32 to vector<128x128xi32>
    %select_n3A_172 = arith.select %lt3A_168, %broadcast_in_dim3A_171, %select_n3A_161 : vector<128x128xi1>, vector<128x128xi32>
    %slice3A_173 = vector.extract_strided_slice %dot_general3A_29 {offsets = [0, 640], sizes = [128, 128], strides = [1, 1]} : vector<256x1024xf32> to vector<128x128xf32>
    %sub3A_174 = vector.broadcast %slice3A : vector<128x1xf32> to vector<128x128xf32>
    %sub3A_175 = arith.subf %sub3A_174, %slice3A_173 : vector<128x128xf32>
    %slice3A_176 = vector.extract_strided_slice %get3A_11 {offsets = [0, 1664], sizes = [1, 128], strides = [1, 1]} : vector<1x8192xf32> to vector<1x128xf32>
    %add3A_177 = vector.broadcast %slice3A_176 : vector<1x128xf32> to vector<128x128xf32>
    %add3A_178 = arith.addf %sub3A_175, %add3A_177 : vector<128x128xf32>
    %lt3A_179 = arith.cmpf olt, %add3A_178, %select_n3A_169 : vector<128x128xf32>
    %select_n3A_180 = arith.select %lt3A_179, %add3A_178, %select_n3A_169 : vector<128x128xi1>, vector<128x128xf32>
    %jit3A_181 = arith.constant 13 : i32
    %broadcast_in_dim3A_182 = vector.broadcast %jit3A_181 : i32 to vector<128x128xi32>
    %select_n3A_183 = arith.select %lt3A_179, %broadcast_in_dim3A_182, %select_n3A_172 : vector<128x128xi1>, vector<128x128xi32>
    %slice3A_184 = vector.extract_strided_slice %dot_general3A_29 {offsets = [0, 768], sizes = [128, 128], strides = [1, 1]} : vector<256x1024xf32> to vector<128x128xf32>
    %sub3A_185 = vector.broadcast %slice3A : vector<128x1xf32> to vector<128x128xf32>
    %sub3A_186 = arith.subf %sub3A_185, %slice3A_184 : vector<128x128xf32>
    %slice3A_187 = vector.extract_strided_slice %get3A_11 {offsets = [0, 1792], sizes = [1, 128], strides = [1, 1]} : vector<1x8192xf32> to vector<1x128xf32>
    %add3A_188 = vector.broadcast %slice3A_187 : vector<1x128xf32> to vector<128x128xf32>
    %add3A_189 = arith.addf %sub3A_186, %add3A_188 : vector<128x128xf32>
    %lt3A_190 = arith.cmpf olt, %add3A_189, %select_n3A_180 : vector<128x128xf32>
    %select_n3A_191 = arith.select %lt3A_190, %add3A_189, %select_n3A_180 : vector<128x128xi1>, vector<128x128xf32>
    %jit3A_192 = arith.constant 14 : i32
    %broadcast_in_dim3A_193 = vector.broadcast %jit3A_192 : i32 to vector<128x128xi32>
    %select_n3A_194 = arith.select %lt3A_190, %broadcast_in_dim3A_193, %select_n3A_183 : vector<128x128xi1>, vector<128x128xi32>
    %slice3A_195 = vector.extract_strided_slice %dot_general3A_29 {offsets = [0, 896], sizes = [128, 128], strides = [1, 1]} : vector<256x1024xf32> to vector<128x128xf32>
    %sub3A_196 = vector.broadcast %slice3A : vector<128x1xf32> to vector<128x128xf32>
    %sub3A_197 = arith.subf %sub3A_196, %slice3A_195 : vector<128x128xf32>
    %slice3A_198 = vector.extract_strided_slice %get3A_11 {offsets = [0, 1920], sizes = [1, 128], strides = [1, 1]} : vector<1x8192xf32> to vector<1x128xf32>
    %add3A_199 = vector.broadcast %slice3A_198 : vector<1x128xf32> to vector<128x128xf32>
    %add3A_200 = arith.addf %sub3A_197, %add3A_199 : vector<128x128xf32>
    %lt3A_201 = arith.cmpf olt, %add3A_200, %select_n3A_191 : vector<128x128xf32>
    %select_n3A_202 = arith.select %lt3A_201, %add3A_200, %select_n3A_191 : vector<128x128xi1>, vector<128x128xf32>
    %jit3A_203 = arith.constant 15 : i32
    %broadcast_in_dim3A_204 = vector.broadcast %jit3A_203 : i32 to vector<128x128xi32>
    %select_n3A_205 = arith.select %lt3A_201, %broadcast_in_dim3A_204, %select_n3A_194 : vector<128x128xi1>, vector<128x128xi32>
    %get3A_206 = arith.constant 3072 : index
    %get3A_207 = arith.constant 0 : index
    %get3A_208 = vector.load %arg6[%get3A_206, %get3A_207] : memref<8192x256xbf16, #tpu.memory_space<vmem>>, vector<1024x256xbf16>
    %dot_general3A_209 = arith.constant dense<0.000000e+00> : vector<256x1024xf32>
    %dot_general3A_210 = tpu.matmul %convert_element_type3A_6, %get3A_208, %dot_general3A_209 {dimension_numbers = #tpu.dot_dimension_numbers<[1], [1], [0], [0], [0, 0, 1, 0], [], []>, transpose_lhs_hint = false} : vector<256x256xbf16>, vector<1024x256xbf16>, vector<256x1024xf32> -> vector<256x1024xf32>
    %slice3A_211 = vector.extract_strided_slice %dot_general3A_117 {offsets = [0, 0], sizes = [128, 128], strides = [1, 1]} : vector<256x1024xf32> to vector<128x128xf32>
    %sub3A_212 = vector.broadcast %slice3A : vector<128x1xf32> to vector<128x128xf32>
    %sub3A_213 = arith.subf %sub3A_212, %slice3A_211 : vector<128x128xf32>
    %slice3A_214 = vector.extract_strided_slice %get3A_11 {offsets = [0, 2048], sizes = [1, 128], strides = [1, 1]} : vector<1x8192xf32> to vector<1x128xf32>
    %add3A_215 = vector.broadcast %slice3A_214 : vector<1x128xf32> to vector<128x128xf32>
    %add3A_216 = arith.addf %sub3A_213, %add3A_215 : vector<128x128xf32>
    %lt3A_217 = arith.cmpf olt, %add3A_216, %select_n3A_202 : vector<128x128xf32>
    %select_n3A_218 = arith.select %lt3A_217, %add3A_216, %select_n3A_202 : vector<128x128xi1>, vector<128x128xf32>
    %jit3A_219 = arith.constant 16 : i32
    %broadcast_in_dim3A_220 = vector.broadcast %jit3A_219 : i32 to vector<128x128xi32>
    %select_n3A_221 = arith.select %lt3A_217, %broadcast_in_dim3A_220, %select_n3A_205 : vector<128x128xi1>, vector<128x128xi32>
    %slice3A_222 = vector.extract_strided_slice %dot_general3A_117 {offsets = [0, 128], sizes = [128, 128], strides = [1, 1]} : vector<256x1024xf32> to vector<128x128xf32>
    %sub3A_223 = vector.broadcast %slice3A : vector<128x1xf32> to vector<128x128xf32>
    %sub3A_224 = arith.subf %sub3A_223, %slice3A_222 : vector<128x128xf32>
    %slice3A_225 = vector.extract_strided_slice %get3A_11 {offsets = [0, 2176], sizes = [1, 128], strides = [1, 1]} : vector<1x8192xf32> to vector<1x128xf32>
    %add3A_226 = vector.broadcast %slice3A_225 : vector<1x128xf32> to vector<128x128xf32>
    %add3A_227 = arith.addf %sub3A_224, %add3A_226 : vector<128x128xf32>
    %lt3A_228 = arith.cmpf olt, %add3A_227, %select_n3A_218 : vector<128x128xf32>
    %select_n3A_229 = arith.select %lt3A_228, %add3A_227, %select_n3A_218 : vector<128x128xi1>, vector<128x128xf32>
    %jit3A_230 = arith.constant 17 : i32
    %broadcast_in_dim3A_231 = vector.broadcast %jit3A_230 : i32 to vector<128x128xi32>
    %select_n3A_232 = arith.select %lt3A_228, %broadcast_in_dim3A_231, %select_n3A_221 : vector<128x128xi1>, vector<128x128xi32>
    %slice3A_233 = vector.extract_strided_slice %dot_general3A_117 {offsets = [0, 256], sizes = [128, 128], strides = [1, 1]} : vector<256x1024xf32> to vector<128x128xf32>
    %sub3A_234 = vector.broadcast %slice3A : vector<128x1xf32> to vector<128x128xf32>
    %sub3A_235 = arith.subf %sub3A_234, %slice3A_233 : vector<128x128xf32>
    %slice3A_236 = vector.extract_strided_slice %get3A_11 {offsets = [0, 2304], sizes = [1, 128], strides = [1, 1]} : vector<1x8192xf32> to vector<1x128xf32>
    %add3A_237 = vector.broadcast %slice3A_236 : vector<1x128xf32> to vector<128x128xf32>
    %add3A_238 = arith.addf %sub3A_235, %add3A_237 : vector<128x128xf32>
    %lt3A_239 = arith.cmpf olt, %add3A_238, %select_n3A_229 : vector<128x128xf32>
    %select_n3A_240 = arith.select %lt3A_239, %add3A_238, %select_n3A_229 : vector<128x128xi1>, vector<128x128xf32>
    %jit3A_241 = arith.constant 18 : i32
    %broadcast_in_dim3A_242 = vector.broadcast %jit3A_241 : i32 to vector<128x128xi32>
    %select_n3A_243 = arith.select %lt3A_239, %broadcast_in_dim3A_242, %select_n3A_232 : vector<128x128xi1>, vector<128x128xi32>
    %slice3A_244 = vector.extract_strided_slice %dot_general3A_117 {offsets = [0, 384], sizes = [128, 128], strides = [1, 1]} : vector<256x1024xf32> to vector<128x128xf32>
    %sub3A_245 = vector.broadcast %slice3A : vector<128x1xf32> to vector<128x128xf32>
    %sub3A_246 = arith.subf %sub3A_245, %slice3A_244 : vector<128x128xf32>
    %slice3A_247 = vector.extract_strided_slice %get3A_11 {offsets = [0, 2432], sizes = [1, 128], strides = [1, 1]} : vector<1x8192xf32> to vector<1x128xf32>
    %add3A_248 = vector.broadcast %slice3A_247 : vector<1x128xf32> to vector<128x128xf32>
    %add3A_249 = arith.addf %sub3A_246, %add3A_248 : vector<128x128xf32>
    %lt3A_250 = arith.cmpf olt, %add3A_249, %select_n3A_240 : vector<128x128xf32>
    %select_n3A_251 = arith.select %lt3A_250, %add3A_249, %select_n3A_240 : vector<128x128xi1>, vector<128x128xf32>
    %jit3A_252 = arith.constant 19 : i32
    %broadcast_in_dim3A_253 = vector.broadcast %jit3A_252 : i32 to vector<128x128xi32>
    %select_n3A_254 = arith.select %lt3A_250, %broadcast_in_dim3A_253, %select_n3A_243 : vector<128x128xi1>, vector<128x128xi32>
    %slice3A_255 = vector.extract_strided_slice %dot_general3A_117 {offsets = [0, 512], sizes = [128, 128], strides = [1, 1]} : vector<256x1024xf32> to vector<128x128xf32>
    %sub3A_256 = vector.broadcast %slice3A : vector<128x1xf32> to vector<128x128xf32>
    %sub3A_257 = arith.subf %sub3A_256, %slice3A_255 : vector<128x128xf32>
    %slice3A_258 = vector.extract_strided_slice %get3A_11 {offsets = [0, 2560], sizes = [1, 128], strides = [1, 1]} : vector<1x8192xf32> to vector<1x128xf32>
    %add3A_259 = vector.broadcast %slice3A_258 : vector<1x128xf32> to vector<128x128xf32>
    %add3A_260 = arith.addf %sub3A_257, %add3A_259 : vector<128x128xf32>
    %lt3A_261 = arith.cmpf olt, %add3A_260, %select_n3A_251 : vector<128x128xf32>
    %select_n3A_262 = arith.select %lt3A_261, %add3A_260, %select_n3A_251 : vector<128x128xi1>, vector<128x128xf32>
    %jit3A_263 = arith.constant 20 : i32
    %broadcast_in_dim3A_264 = vector.broadcast %jit3A_263 : i32 to vector<128x128xi32>
    %select_n3A_265 = arith.select %lt3A_261, %broadcast_in_dim3A_264, %select_n3A_254 : vector<128x128xi1>, vector<128x128xi32>
    %slice3A_266 = vector.extract_strided_slice %dot_general3A_117 {offsets = [0, 640], sizes = [128, 128], strides = [1, 1]} : vector<256x1024xf32> to vector<128x128xf32>
    %sub3A_267 = vector.broadcast %slice3A : vector<128x1xf32> to vector<128x128xf32>
    %sub3A_268 = arith.subf %sub3A_267, %slice3A_266 : vector<128x128xf32>
    %slice3A_269 = vector.extract_strided_slice %get3A_11 {offsets = [0, 2688], sizes = [1, 128], strides = [1, 1]} : vector<1x8192xf32> to vector<1x128xf32>
    %add3A_270 = vector.broadcast %slice3A_269 : vector<1x128xf32> to vector<128x128xf32>
    %add3A_271 = arith.addf %sub3A_268, %add3A_270 : vector<128x128xf32>
    %lt3A_272 = arith.cmpf olt, %add3A_271, %select_n3A_262 : vector<128x128xf32>
    %select_n3A_273 = arith.select %lt3A_272, %add3A_271, %select_n3A_262 : vector<128x128xi1>, vector<128x128xf32>
    %jit3A_274 = arith.constant 21 : i32
    %broadcast_in_dim3A_275 = vector.broadcast %jit3A_274 : i32 to vector<128x128xi32>
    %select_n3A_276 = arith.select %lt3A_272, %broadcast_in_dim3A_275, %select_n3A_265 : vector<128x128xi1>, vector<128x128xi32>
    %slice3A_277 = vector.extract_strided_slice %dot_general3A_117 {offsets = [0, 768], sizes = [128, 128], strides = [1, 1]} : vector<256x1024xf32> to vector<128x128xf32>
    %sub3A_278 = vector.broadcast %slice3A : vector<128x1xf32> to vector<128x128xf32>
    %sub3A_279 = arith.subf %sub3A_278, %slice3A_277 : vector<128x128xf32>
    %slice3A_280 = vector.extract_strided_slice %get3A_11 {offsets = [0, 2816], sizes = [1, 128], strides = [1, 1]} : vector<1x8192xf32> to vector<1x128xf32>
    %add3A_281 = vector.broadcast %slice3A_280 : vector<1x128xf32> to vector<128x128xf32>
    %add3A_282 = arith.addf %sub3A_279, %add3A_281 : vector<128x128xf32>
    %lt3A_283 = arith.cmpf olt, %add3A_282, %select_n3A_273 : vector<128x128xf32>
    %select_n3A_284 = arith.select %lt3A_283, %add3A_282, %select_n3A_273 : vector<128x128xi1>, vector<128x128xf32>
    %jit3A_285 = arith.constant 22 : i32
    %broadcast_in_dim3A_286 = vector.broadcast %jit3A_285 : i32 to vector<128x128xi32>
    %select_n3A_287 = arith.select %lt3A_283, %broadcast_in_dim3A_286, %select_n3A_276 : vector<128x128xi1>, vector<128x128xi32>
    %slice3A_288 = vector.extract_strided_slice %dot_general3A_117 {offsets = [0, 896], sizes = [128, 128], strides = [1, 1]} : vector<256x1024xf32> to vector<128x128xf32>
    %sub3A_289 = vector.broadcast %slice3A : vector<128x1xf32> to vector<128x128xf32>
    %sub3A_290 = arith.subf %sub3A_289, %slice3A_288 : vector<128x128xf32>
    %slice3A_291 = vector.extract_strided_slice %get3A_11 {offsets = [0, 2944], sizes = [1, 128], strides = [1, 1]} : vector<1x8192xf32> to vector<1x128xf32>
    %add3A_292 = vector.broadcast %slice3A_291 : vector<1x128xf32> to vector<128x128xf32>
    %add3A_293 = arith.addf %sub3A_290, %add3A_292 : vector<128x128xf32>
    %lt3A_294 = arith.cmpf olt, %add3A_293, %select_n3A_284 : vector<128x128xf32>
    %select_n3A_295 = arith.select %lt3A_294, %add3A_293, %select_n3A_284 : vector<128x128xi1>, vector<128x128xf32>
    %jit3A_296 = arith.constant 23 : i32
    %broadcast_in_dim3A_297 = vector.broadcast %jit3A_296 : i32 to vector<128x128xi32>
    %select_n3A_298 = arith.select %lt3A_294, %broadcast_in_dim3A_297, %select_n3A_287 : vector<128x128xi1>, vector<128x128xi32>
    %get3A_299 = arith.constant 4096 : index
    %get3A_300 = arith.constant 0 : index
    %get3A_301 = vector.load %arg6[%get3A_299, %get3A_300] : memref<8192x256xbf16, #tpu.memory_space<vmem>>, vector<1024x256xbf16>
    %dot_general3A_302 = arith.constant dense<0.000000e+00> : vector<256x1024xf32>
    %dot_general3A_303 = tpu.matmul %convert_element_type3A_6, %get3A_301, %dot_general3A_302 {dimension_numbers = #tpu.dot_dimension_numbers<[1], [1], [0], [0], [0, 0, 1, 0], [], []>, transpose_lhs_hint = false} : vector<256x256xbf16>, vector<1024x256xbf16>, vector<256x1024xf32> -> vector<256x1024xf32>
    %slice3A_304 = vector.extract_strided_slice %dot_general3A_210 {offsets = [0, 0], sizes = [128, 128], strides = [1, 1]} : vector<256x1024xf32> to vector<128x128xf32>
    %sub3A_305 = vector.broadcast %slice3A : vector<128x1xf32> to vector<128x128xf32>
    %sub3A_306 = arith.subf %sub3A_305, %slice3A_304 : vector<128x128xf32>
    %slice3A_307 = vector.extract_strided_slice %get3A_11 {offsets = [0, 3072], sizes = [1, 128], strides = [1, 1]} : vector<1x8192xf32> to vector<1x128xf32>
    %add3A_308 = vector.broadcast %slice3A_307 : vector<1x128xf32> to vector<128x128xf32>
    %add3A_309 = arith.addf %sub3A_306, %add3A_308 : vector<128x128xf32>
    %lt3A_310 = arith.cmpf olt, %add3A_309, %select_n3A_295 : vector<128x128xf32>
    %select_n3A_311 = arith.select %lt3A_310, %add3A_309, %select_n3A_295 : vector<128x128xi1>, vector<128x128xf32>
    %jit3A_312 = arith.constant 24 : i32
    %broadcast_in_dim3A_313 = vector.broadcast %jit3A_312 : i32 to vector<128x128xi32>
    %select_n3A_314 = arith.select %lt3A_310, %broadcast_in_dim3A_313, %select_n3A_298 : vector<128x128xi1>, vector<128x128xi32>
    %slice3A_315 = vector.extract_strided_slice %dot_general3A_210 {offsets = [0, 128], sizes = [128, 128], strides = [1, 1]} : vector<256x1024xf32> to vector<128x128xf32>
    %sub3A_316 = vector.broadcast %slice3A : vector<128x1xf32> to vector<128x128xf32>
    %sub3A_317 = arith.subf %sub3A_316, %slice3A_315 : vector<128x128xf32>
    %slice3A_318 = vector.extract_strided_slice %get3A_11 {offsets = [0, 3200], sizes = [1, 128], strides = [1, 1]} : vector<1x8192xf32> to vector<1x128xf32>
    %add3A_319 = vector.broadcast %slice3A_318 : vector<1x128xf32> to vector<128x128xf32>
    %add3A_320 = arith.addf %sub3A_317, %add3A_319 : vector<128x128xf32>
    %lt3A_321 = arith.cmpf olt, %add3A_320, %select_n3A_311 : vector<128x128xf32>
    %select_n3A_322 = arith.select %lt3A_321, %add3A_320, %select_n3A_311 : vector<128x128xi1>, vector<128x128xf32>
    %jit3A_323 = arith.constant 25 : i32
    %broadcast_in_dim3A_324 = vector.broadcast %jit3A_323 : i32 to vector<128x128xi32>
    %select_n3A_325 = arith.select %lt3A_321, %broadcast_in_dim3A_324, %select_n3A_314 : vector<128x128xi1>, vector<128x128xi32>
    %slice3A_326 = vector.extract_strided_slice %dot_general3A_210 {offsets = [0, 256], sizes = [128, 128], strides = [1, 1]} : vector<256x1024xf32> to vector<128x128xf32>
    %sub3A_327 = vector.broadcast %slice3A : vector<128x1xf32> to vector<128x128xf32>
    %sub3A_328 = arith.subf %sub3A_327, %slice3A_326 : vector<128x128xf32>
    %slice3A_329 = vector.extract_strided_slice %get3A_11 {offsets = [0, 3328], sizes = [1, 128], strides = [1, 1]} : vector<1x8192xf32> to vector<1x128xf32>
    %add3A_330 = vector.broadcast %slice3A_329 : vector<1x128xf32> to vector<128x128xf32>
    %add3A_331 = arith.addf %sub3A_328, %add3A_330 : vector<128x128xf32>
    %lt3A_332 = arith.cmpf olt, %add3A_331, %select_n3A_322 : vector<128x128xf32>
    %select_n3A_333 = arith.select %lt3A_332, %add3A_331, %select_n3A_322 : vector<128x128xi1>, vector<128x128xf32>
    %jit3A_334 = arith.constant 26 : i32
    %broadcast_in_dim3A_335 = vector.broadcast %jit3A_334 : i32 to vector<128x128xi32>
    %select_n3A_336 = arith.select %lt3A_332, %broadcast_in_dim3A_335, %select_n3A_325 : vector<128x128xi1>, vector<128x128xi32>
    %slice3A_337 = vector.extract_strided_slice %dot_general3A_210 {offsets = [0, 384], sizes = [128, 128], strides = [1, 1]} : vector<256x1024xf32> to vector<128x128xf32>
    %sub3A_338 = vector.broadcast %slice3A : vector<128x1xf32> to vector<128x128xf32>
    %sub3A_339 = arith.subf %sub3A_338, %slice3A_337 : vector<128x128xf32>
    %slice3A_340 = vector.extract_strided_slice %get3A_11 {offsets = [0, 3456], sizes = [1, 128], strides = [1, 1]} : vector<1x8192xf32> to vector<1x128xf32>
    %add3A_341 = vector.broadcast %slice3A_340 : vector<1x128xf32> to vector<128x128xf32>
    %add3A_342 = arith.addf %sub3A_339, %add3A_341 : vector<128x128xf32>
    %lt3A_343 = arith.cmpf olt, %add3A_342, %select_n3A_333 : vector<128x128xf32>
    %select_n3A_344 = arith.select %lt3A_343, %add3A_342, %select_n3A_333 : vector<128x128xi1>, vector<128x128xf32>
    %jit3A_345 = arith.constant 27 : i32
    %broadcast_in_dim3A_346 = vector.broadcast %jit3A_345 : i32 to vector<128x128xi32>
    %select_n3A_347 = arith.select %lt3A_343, %broadcast_in_dim3A_346, %select_n3A_336 : vector<128x128xi1>, vector<128x128xi32>
    %slice3A_348 = vector.extract_strided_slice %dot_general3A_210 {offsets = [0, 512], sizes = [128, 128], strides = [1, 1]} : vector<256x1024xf32> to vector<128x128xf32>
    %sub3A_349 = vector.broadcast %slice3A : vector<128x1xf32> to vector<128x128xf32>
    %sub3A_350 = arith.subf %sub3A_349, %slice3A_348 : vector<128x128xf32>
    %slice3A_351 = vector.extract_strided_slice %get3A_11 {offsets = [0, 3584], sizes = [1, 128], strides = [1, 1]} : vector<1x8192xf32> to vector<1x128xf32>
    %add3A_352 = vector.broadcast %slice3A_351 : vector<1x128xf32> to vector<128x128xf32>
    %add3A_353 = arith.addf %sub3A_350, %add3A_352 : vector<128x128xf32>
    %lt3A_354 = arith.cmpf olt, %add3A_353, %select_n3A_344 : vector<128x128xf32>
    %select_n3A_355 = arith.select %lt3A_354, %add3A_353, %select_n3A_344 : vector<128x128xi1>, vector<128x128xf32>
    %jit3A_356 = arith.constant 28 : i32
    %broadcast_in_dim3A_357 = vector.broadcast %jit3A_356 : i32 to vector<128x128xi32>
    %select_n3A_358 = arith.select %lt3A_354, %broadcast_in_dim3A_357, %select_n3A_347 : vector<128x128xi1>, vector<128x128xi32>
    %slice3A_359 = vector.extract_strided_slice %dot_general3A_210 {offsets = [0, 640], sizes = [128, 128], strides = [1, 1]} : vector<256x1024xf32> to vector<128x128xf32>
    %sub3A_360 = vector.broadcast %slice3A : vector<128x1xf32> to vector<128x128xf32>
    %sub3A_361 = arith.subf %sub3A_360, %slice3A_359 : vector<128x128xf32>
    %slice3A_362 = vector.extract_strided_slice %get3A_11 {offsets = [0, 3712], sizes = [1, 128], strides = [1, 1]} : vector<1x8192xf32> to vector<1x128xf32>
    %add3A_363 = vector.broadcast %slice3A_362 : vector<1x128xf32> to vector<128x128xf32>
    %add3A_364 = arith.addf %sub3A_361, %add3A_363 : vector<128x128xf32>
    %lt3A_365 = arith.cmpf olt, %add3A_364, %select_n3A_355 : vector<128x128xf32>
    %select_n3A_366 = arith.select %lt3A_365, %add3A_364, %select_n3A_355 : vector<128x128xi1>, vector<128x128xf32>
    %jit3A_367 = arith.constant 29 : i32
    %broadcast_in_dim3A_368 = vector.broadcast %jit3A_367 : i32 to vector<128x128xi32>
    %select_n3A_369 = arith.select %lt3A_365, %broadcast_in_dim3A_368, %select_n3A_358 : vector<128x128xi1>, vector<128x128xi32>
    %slice3A_370 = vector.extract_strided_slice %dot_general3A_210 {offsets = [0, 768], sizes = [128, 128], strides = [1, 1]} : vector<256x1024xf32> to vector<128x128xf32>
    %sub3A_371 = vector.broadcast %slice3A : vector<128x1xf32> to vector<128x128xf32>
    %sub3A_372 = arith.subf %sub3A_371, %slice3A_370 : vector<128x128xf32>
    %slice3A_373 = vector.extract_strided_slice %get3A_11 {offsets = [0, 3840], sizes = [1, 128], strides = [1, 1]} : vector<1x8192xf32> to vector<1x128xf32>
    %add3A_374 = vector.broadcast %slice3A_373 : vector<1x128xf32> to vector<128x128xf32>
    %add3A_375 = arith.addf %sub3A_372, %add3A_374 : vector<128x128xf32>
    %lt3A_376 = arith.cmpf olt, %add3A_375, %select_n3A_366 : vector<128x128xf32>
    %select_n3A_377 = arith.select %lt3A_376, %add3A_375, %select_n3A_366 : vector<128x128xi1>, vector<128x128xf32>
    %jit3A_378 = arith.constant 30 : i32
    %broadcast_in_dim3A_379 = vector.broadcast %jit3A_378 : i32 to vector<128x128xi32>
    %select_n3A_380 = arith.select %lt3A_376, %broadcast_in_dim3A_379, %select_n3A_369 : vector<128x128xi1>, vector<128x128xi32>
    %slice3A_381 = vector.extract_strided_slice %dot_general3A_210 {offsets = [0, 896], sizes = [128, 128], strides = [1, 1]} : vector<256x1024xf32> to vector<128x128xf32>
    %sub3A_382 = vector.broadcast %slice3A : vector<128x1xf32> to vector<128x128xf32>
    %sub3A_383 = arith.subf %sub3A_382, %slice3A_381 : vector<128x128xf32>
    %slice3A_384 = vector.extract_strided_slice %get3A_11 {offsets = [0, 3968], sizes = [1, 128], strides = [1, 1]} : vector<1x8192xf32> to vector<1x128xf32>
    %add3A_385 = vector.broadcast %slice3A_384 : vector<1x128xf32> to vector<128x128xf32>
    %add3A_386 = arith.addf %sub3A_383, %add3A_385 : vector<128x128xf32>
    %lt3A_387 = arith.cmpf olt, %add3A_386, %select_n3A_377 : vector<128x128xf32>
    %select_n3A_388 = arith.select %lt3A_387, %add3A_386, %select_n3A_377 : vector<128x128xi1>, vector<128x128xf32>
    %jit3A_389 = arith.constant 31 : i32
    %broadcast_in_dim3A_390 = vector.broadcast %jit3A_389 : i32 to vector<128x128xi32>
    %select_n3A_391 = arith.select %lt3A_387, %broadcast_in_dim3A_390, %select_n3A_380 : vector<128x128xi1>, vector<128x128xi32>
    %get3A_392 = arith.constant 5120 : index
    %get3A_393 = arith.constant 0 : index
    %get3A_394 = vector.load %arg6[%get3A_392, %get3A_393] : memref<8192x256xbf16, #tpu.memory_space<vmem>>, vector<1024x256xbf16>
    %dot_general3A_395 = arith.constant dense<0.000000e+00> : vector<256x1024xf32>
    %dot_general3A_396 = tpu.matmul %convert_element_type3A_6, %get3A_394, %dot_general3A_395 {dimension_numbers = #tpu.dot_dimension_numbers<[1], [1], [0], [0], [0, 0, 1, 0], [], []>, transpose_lhs_hint = false} : vector<256x256xbf16>, vector<1024x256xbf16>, vector<256x1024xf32> -> vector<256x1024xf32>
    %slice3A_397 = vector.extract_strided_slice %dot_general3A_303 {offsets = [0, 0], sizes = [128, 128], strides = [1, 1]} : vector<256x1024xf32> to vector<128x128xf32>
    %sub3A_398 = vector.broadcast %slice3A : vector<128x1xf32> to vector<128x128xf32>
    %sub3A_399 = arith.subf %sub3A_398, %slice3A_397 : vector<128x128xf32>
    %slice3A_400 = vector.extract_strided_slice %get3A_11 {offsets = [0, 4096], sizes = [1, 128], strides = [1, 1]} : vector<1x8192xf32> to vector<1x128xf32>
    %add3A_401 = vector.broadcast %slice3A_400 : vector<1x128xf32> to vector<128x128xf32>
    %add3A_402 = arith.addf %sub3A_399, %add3A_401 : vector<128x128xf32>
    %lt3A_403 = arith.cmpf olt, %add3A_402, %select_n3A_388 : vector<128x128xf32>
    %select_n3A_404 = arith.select %lt3A_403, %add3A_402, %select_n3A_388 : vector<128x128xi1>, vector<128x128xf32>
    %jit3A_405 = arith.constant 32 : i32
    %broadcast_in_dim3A_406 = vector.broadcast %jit3A_405 : i32 to vector<128x128xi32>
    %select_n3A_407 = arith.select %lt3A_403, %broadcast_in_dim3A_406, %select_n3A_391 : vector<128x128xi1>, vector<128x128xi32>
    %slice3A_408 = vector.extract_strided_slice %dot_general3A_303 {offsets = [0, 128], sizes = [128, 128], strides = [1, 1]} : vector<256x1024xf32> to vector<128x128xf32>
    %sub3A_409 = vector.broadcast %slice3A : vector<128x1xf32> to vector<128x128xf32>
    %sub3A_410 = arith.subf %sub3A_409, %slice3A_408 : vector<128x128xf32>
    %slice3A_411 = vector.extract_strided_slice %get3A_11 {offsets = [0, 4224], sizes = [1, 128], strides = [1, 1]} : vector<1x8192xf32> to vector<1x128xf32>
    %add3A_412 = vector.broadcast %slice3A_411 : vector<1x128xf32> to vector<128x128xf32>
    %add3A_413 = arith.addf %sub3A_410, %add3A_412 : vector<128x128xf32>
    %lt3A_414 = arith.cmpf olt, %add3A_413, %select_n3A_404 : vector<128x128xf32>
    %select_n3A_415 = arith.select %lt3A_414, %add3A_413, %select_n3A_404 : vector<128x128xi1>, vector<128x128xf32>
    %jit3A_416 = arith.constant 33 : i32
    %broadcast_in_dim3A_417 = vector.broadcast %jit3A_416 : i32 to vector<128x128xi32>
    %select_n3A_418 = arith.select %lt3A_414, %broadcast_in_dim3A_417, %select_n3A_407 : vector<128x128xi1>, vector<128x128xi32>
    %slice3A_419 = vector.extract_strided_slice %dot_general3A_303 {offsets = [0, 256], sizes = [128, 128], strides = [1, 1]} : vector<256x1024xf32> to vector<128x128xf32>
    %sub3A_420 = vector.broadcast %slice3A : vector<128x1xf32> to vector<128x128xf32>
    %sub3A_421 = arith.subf %sub3A_420, %slice3A_419 : vector<128x128xf32>
    %slice3A_422 = vector.extract_strided_slice %get3A_11 {offsets = [0, 4352], sizes = [1, 128], strides = [1, 1]} : vector<1x8192xf32> to vector<1x128xf32>
    %add3A_423 = vector.broadcast %slice3A_422 : vector<1x128xf32> to vector<128x128xf32>
    %add3A_424 = arith.addf %sub3A_421, %add3A_423 : vector<128x128xf32>
    %lt3A_425 = arith.cmpf olt, %add3A_424, %select_n3A_415 : vector<128x128xf32>
    %select_n3A_426 = arith.select %lt3A_425, %add3A_424, %select_n3A_415 : vector<128x128xi1>, vector<128x128xf32>
    %jit3A_427 = arith.constant 34 : i32
    %broadcast_in_dim3A_428 = vector.broadcast %jit3A_427 : i32 to vector<128x128xi32>
    %select_n3A_429 = arith.select %lt3A_425, %broadcast_in_dim3A_428, %select_n3A_418 : vector<128x128xi1>, vector<128x128xi32>
    %slice3A_430 = vector.extract_strided_slice %dot_general3A_303 {offsets = [0, 384], sizes = [128, 128], strides = [1, 1]} : vector<256x1024xf32> to vector<128x128xf32>
    %sub3A_431 = vector.broadcast %slice3A : vector<128x1xf32> to vector<128x128xf32>
    %sub3A_432 = arith.subf %sub3A_431, %slice3A_430 : vector<128x128xf32>
    %slice3A_433 = vector.extract_strided_slice %get3A_11 {offsets = [0, 4480], sizes = [1, 128], strides = [1, 1]} : vector<1x8192xf32> to vector<1x128xf32>
    %add3A_434 = vector.broadcast %slice3A_433 : vector<1x128xf32> to vector<128x128xf32>
    %add3A_435 = arith.addf %sub3A_432, %add3A_434 : vector<128x128xf32>
    %lt3A_436 = arith.cmpf olt, %add3A_435, %select_n3A_426 : vector<128x128xf32>
    %select_n3A_437 = arith.select %lt3A_436, %add3A_435, %select_n3A_426 : vector<128x128xi1>, vector<128x128xf32>
    %jit3A_438 = arith.constant 35 : i32
    %broadcast_in_dim3A_439 = vector.broadcast %jit3A_438 : i32 to vector<128x128xi32>
    %select_n3A_440 = arith.select %lt3A_436, %broadcast_in_dim3A_439, %select_n3A_429 : vector<128x128xi1>, vector<128x128xi32>
    %slice3A_441 = vector.extract_strided_slice %dot_general3A_303 {offsets = [0, 512], sizes = [128, 128], strides = [1, 1]} : vector<256x1024xf32> to vector<128x128xf32>
    %sub3A_442 = vector.broadcast %slice3A : vector<128x1xf32> to vector<128x128xf32>
    %sub3A_443 = arith.subf %sub3A_442, %slice3A_441 : vector<128x128xf32>
    %slice3A_444 = vector.extract_strided_slice %get3A_11 {offsets = [0, 4608], sizes = [1, 128], strides = [1, 1]} : vector<1x8192xf32> to vector<1x128xf32>
    %add3A_445 = vector.broadcast %slice3A_444 : vector<1x128xf32> to vector<128x128xf32>
    %add3A_446 = arith.addf %sub3A_443, %add3A_445 : vector<128x128xf32>
    %lt3A_447 = arith.cmpf olt, %add3A_446, %select_n3A_437 : vector<128x128xf32>
    %select_n3A_448 = arith.select %lt3A_447, %add3A_446, %select_n3A_437 : vector<128x128xi1>, vector<128x128xf32>
    %jit3A_449 = arith.constant 36 : i32
    %broadcast_in_dim3A_450 = vector.broadcast %jit3A_449 : i32 to vector<128x128xi32>
    %select_n3A_451 = arith.select %lt3A_447, %broadcast_in_dim3A_450, %select_n3A_440 : vector<128x128xi1>, vector<128x128xi32>
    %slice3A_452 = vector.extract_strided_slice %dot_general3A_303 {offsets = [0, 640], sizes = [128, 128], strides = [1, 1]} : vector<256x1024xf32> to vector<128x128xf32>
    %sub3A_453 = vector.broadcast %slice3A : vector<128x1xf32> to vector<128x128xf32>
    %sub3A_454 = arith.subf %sub3A_453, %slice3A_452 : vector<128x128xf32>
    %slice3A_455 = vector.extract_strided_slice %get3A_11 {offsets = [0, 4736], sizes = [1, 128], strides = [1, 1]} : vector<1x8192xf32> to vector<1x128xf32>
    %add3A_456 = vector.broadcast %slice3A_455 : vector<1x128xf32> to vector<128x128xf32>
    %add3A_457 = arith.addf %sub3A_454, %add3A_456 : vector<128x128xf32>
    %lt3A_458 = arith.cmpf olt, %add3A_457, %select_n3A_448 : vector<128x128xf32>
    %select_n3A_459 = arith.select %lt3A_458, %add3A_457, %select_n3A_448 : vector<128x128xi1>, vector<128x128xf32>
    %jit3A_460 = arith.constant 37 : i32
    %broadcast_in_dim3A_461 = vector.broadcast %jit3A_460 : i32 to vector<128x128xi32>
    %select_n3A_462 = arith.select %lt3A_458, %broadcast_in_dim3A_461, %select_n3A_451 : vector<128x128xi1>, vector<128x128xi32>
    %slice3A_463 = vector.extract_strided_slice %dot_general3A_303 {offsets = [0, 768], sizes = [128, 128], strides = [1, 1]} : vector<256x1024xf32> to vector<128x128xf32>
    %sub3A_464 = vector.broadcast %slice3A : vector<128x1xf32> to vector<128x128xf32>
    %sub3A_465 = arith.subf %sub3A_464, %slice3A_463 : vector<128x128xf32>
    %slice3A_466 = vector.extract_strided_slice %get3A_11 {offsets = [0, 4864], sizes = [1, 128], strides = [1, 1]} : vector<1x8192xf32> to vector<1x128xf32>
    %add3A_467 = vector.broadcast %slice3A_466 : vector<1x128xf32> to vector<128x128xf32>
    %add3A_468 = arith.addf %sub3A_465, %add3A_467 : vector<128x128xf32>
    %lt3A_469 = arith.cmpf olt, %add3A_468, %select_n3A_459 : vector<128x128xf32>
    %select_n3A_470 = arith.select %lt3A_469, %add3A_468, %select_n3A_459 : vector<128x128xi1>, vector<128x128xf32>
    %jit3A_471 = arith.constant 38 : i32
    %broadcast_in_dim3A_472 = vector.broadcast %jit3A_471 : i32 to vector<128x128xi32>
    %select_n3A_473 = arith.select %lt3A_469, %broadcast_in_dim3A_472, %select_n3A_462 : vector<128x128xi1>, vector<128x128xi32>
    %slice3A_474 = vector.extract_strided_slice %dot_general3A_303 {offsets = [0, 896], sizes = [128, 128], strides = [1, 1]} : vector<256x1024xf32> to vector<128x128xf32>
    %sub3A_475 = vector.broadcast %slice3A : vector<128x1xf32> to vector<128x128xf32>
    %sub3A_476 = arith.subf %sub3A_475, %slice3A_474 : vector<128x128xf32>
    %slice3A_477 = vector.extract_strided_slice %get3A_11 {offsets = [0, 4992], sizes = [1, 128], strides = [1, 1]} : vector<1x8192xf32> to vector<1x128xf32>
    %add3A_478 = vector.broadcast %slice3A_477 : vector<1x128xf32> to vector<128x128xf32>
    %add3A_479 = arith.addf %sub3A_476, %add3A_478 : vector<128x128xf32>
    %lt3A_480 = arith.cmpf olt, %add3A_479, %select_n3A_470 : vector<128x128xf32>
    %select_n3A_481 = arith.select %lt3A_480, %add3A_479, %select_n3A_470 : vector<128x128xi1>, vector<128x128xf32>
    %jit3A_482 = arith.constant 39 : i32
    %broadcast_in_dim3A_483 = vector.broadcast %jit3A_482 : i32 to vector<128x128xi32>
    %select_n3A_484 = arith.select %lt3A_480, %broadcast_in_dim3A_483, %select_n3A_473 : vector<128x128xi1>, vector<128x128xi32>
    %get3A_485 = arith.constant 6144 : index
    %get3A_486 = arith.constant 0 : index
    %get3A_487 = vector.load %arg6[%get3A_485, %get3A_486] : memref<8192x256xbf16, #tpu.memory_space<vmem>>, vector<1024x256xbf16>
    %dot_general3A_488 = arith.constant dense<0.000000e+00> : vector<256x1024xf32>
    %dot_general3A_489 = tpu.matmul %convert_element_type3A_6, %get3A_487, %dot_general3A_488 {dimension_numbers = #tpu.dot_dimension_numbers<[1], [1], [0], [0], [0, 0, 1, 0], [], []>, transpose_lhs_hint = false} : vector<256x256xbf16>, vector<1024x256xbf16>, vector<256x1024xf32> -> vector<256x1024xf32>
    %slice3A_490 = vector.extract_strided_slice %dot_general3A_396 {offsets = [0, 0], sizes = [128, 128], strides = [1, 1]} : vector<256x1024xf32> to vector<128x128xf32>
    %sub3A_491 = vector.broadcast %slice3A : vector<128x1xf32> to vector<128x128xf32>
    %sub3A_492 = arith.subf %sub3A_491, %slice3A_490 : vector<128x128xf32>
    %slice3A_493 = vector.extract_strided_slice %get3A_11 {offsets = [0, 5120], sizes = [1, 128], strides = [1, 1]} : vector<1x8192xf32> to vector<1x128xf32>
    %add3A_494 = vector.broadcast %slice3A_493 : vector<1x128xf32> to vector<128x128xf32>
    %add3A_495 = arith.addf %sub3A_492, %add3A_494 : vector<128x128xf32>
    %lt3A_496 = arith.cmpf olt, %add3A_495, %select_n3A_481 : vector<128x128xf32>
    %select_n3A_497 = arith.select %lt3A_496, %add3A_495, %select_n3A_481 : vector<128x128xi1>, vector<128x128xf32>
    %jit3A_498 = arith.constant 40 : i32
    %broadcast_in_dim3A_499 = vector.broadcast %jit3A_498 : i32 to vector<128x128xi32>
    %select_n3A_500 = arith.select %lt3A_496, %broadcast_in_dim3A_499, %select_n3A_484 : vector<128x128xi1>, vector<128x128xi32>
    %slice3A_501 = vector.extract_strided_slice %dot_general3A_396 {offsets = [0, 128], sizes = [128, 128], strides = [1, 1]} : vector<256x1024xf32> to vector<128x128xf32>
    %sub3A_502 = vector.broadcast %slice3A : vector<128x1xf32> to vector<128x128xf32>
    %sub3A_503 = arith.subf %sub3A_502, %slice3A_501 : vector<128x128xf32>
    %slice3A_504 = vector.extract_strided_slice %get3A_11 {offsets = [0, 5248], sizes = [1, 128], strides = [1, 1]} : vector<1x8192xf32> to vector<1x128xf32>
    %add3A_505 = vector.broadcast %slice3A_504 : vector<1x128xf32> to vector<128x128xf32>
    %add3A_506 = arith.addf %sub3A_503, %add3A_505 : vector<128x128xf32>
    %lt3A_507 = arith.cmpf olt, %add3A_506, %select_n3A_497 : vector<128x128xf32>
    %select_n3A_508 = arith.select %lt3A_507, %add3A_506, %select_n3A_497 : vector<128x128xi1>, vector<128x128xf32>
    %jit3A_509 = arith.constant 41 : i32
    %broadcast_in_dim3A_510 = vector.broadcast %jit3A_509 : i32 to vector<128x128xi32>
    %select_n3A_511 = arith.select %lt3A_507, %broadcast_in_dim3A_510, %select_n3A_500 : vector<128x128xi1>, vector<128x128xi32>
    %slice3A_512 = vector.extract_strided_slice %dot_general3A_396 {offsets = [0, 256], sizes = [128, 128], strides = [1, 1]} : vector<256x1024xf32> to vector<128x128xf32>
    %sub3A_513 = vector.broadcast %slice3A : vector<128x1xf32> to vector<128x128xf32>
    %sub3A_514 = arith.subf %sub3A_513, %slice3A_512 : vector<128x128xf32>
    %slice3A_515 = vector.extract_strided_slice %get3A_11 {offsets = [0, 5376], sizes = [1, 128], strides = [1, 1]} : vector<1x8192xf32> to vector<1x128xf32>
    %add3A_516 = vector.broadcast %slice3A_515 : vector<1x128xf32> to vector<128x128xf32>
    %add3A_517 = arith.addf %sub3A_514, %add3A_516 : vector<128x128xf32>
    %lt3A_518 = arith.cmpf olt, %add3A_517, %select_n3A_508 : vector<128x128xf32>
    %select_n3A_519 = arith.select %lt3A_518, %add3A_517, %select_n3A_508 : vector<128x128xi1>, vector<128x128xf32>
    %jit3A_520 = arith.constant 42 : i32
    %broadcast_in_dim3A_521 = vector.broadcast %jit3A_520 : i32 to vector<128x128xi32>
    %select_n3A_522 = arith.select %lt3A_518, %broadcast_in_dim3A_521, %select_n3A_511 : vector<128x128xi1>, vector<128x128xi32>
    %slice3A_523 = vector.extract_strided_slice %dot_general3A_396 {offsets = [0, 384], sizes = [128, 128], strides = [1, 1]} : vector<256x1024xf32> to vector<128x128xf32>
    %sub3A_524 = vector.broadcast %slice3A : vector<128x1xf32> to vector<128x128xf32>
    %sub3A_525 = arith.subf %sub3A_524, %slice3A_523 : vector<128x128xf32>
    %slice3A_526 = vector.extract_strided_slice %get3A_11 {offsets = [0, 5504], sizes = [1, 128], strides = [1, 1]} : vector<1x8192xf32> to vector<1x128xf32>
    %add3A_527 = vector.broadcast %slice3A_526 : vector<1x128xf32> to vector<128x128xf32>
    %add3A_528 = arith.addf %sub3A_525, %add3A_527 : vector<128x128xf32>
    %lt3A_529 = arith.cmpf olt, %add3A_528, %select_n3A_519 : vector<128x128xf32>
    %select_n3A_530 = arith.select %lt3A_529, %add3A_528, %select_n3A_519 : vector<128x128xi1>, vector<128x128xf32>
    %jit3A_531 = arith.constant 43 : i32
    %broadcast_in_dim3A_532 = vector.broadcast %jit3A_531 : i32 to vector<128x128xi32>
    %select_n3A_533 = arith.select %lt3A_529, %broadcast_in_dim3A_532, %select_n3A_522 : vector<128x128xi1>, vector<128x128xi32>
    %slice3A_534 = vector.extract_strided_slice %dot_general3A_396 {offsets = [0, 512], sizes = [128, 128], strides = [1, 1]} : vector<256x1024xf32> to vector<128x128xf32>
    %sub3A_535 = vector.broadcast %slice3A : vector<128x1xf32> to vector<128x128xf32>
    %sub3A_536 = arith.subf %sub3A_535, %slice3A_534 : vector<128x128xf32>
    %slice3A_537 = vector.extract_strided_slice %get3A_11 {offsets = [0, 5632], sizes = [1, 128], strides = [1, 1]} : vector<1x8192xf32> to vector<1x128xf32>
    %add3A_538 = vector.broadcast %slice3A_537 : vector<1x128xf32> to vector<128x128xf32>
    %add3A_539 = arith.addf %sub3A_536, %add3A_538 : vector<128x128xf32>
    %lt3A_540 = arith.cmpf olt, %add3A_539, %select_n3A_530 : vector<128x128xf32>
    %select_n3A_541 = arith.select %lt3A_540, %add3A_539, %select_n3A_530 : vector<128x128xi1>, vector<128x128xf32>
    %jit3A_542 = arith.constant 44 : i32
    %broadcast_in_dim3A_543 = vector.broadcast %jit3A_542 : i32 to vector<128x128xi32>
    %select_n3A_544 = arith.select %lt3A_540, %broadcast_in_dim3A_543, %select_n3A_533 : vector<128x128xi1>, vector<128x128xi32>
    %slice3A_545 = vector.extract_strided_slice %dot_general3A_396 {offsets = [0, 640], sizes = [128, 128], strides = [1, 1]} : vector<256x1024xf32> to vector<128x128xf32>
    %sub3A_546 = vector.broadcast %slice3A : vector<128x1xf32> to vector<128x128xf32>
    %sub3A_547 = arith.subf %sub3A_546, %slice3A_545 : vector<128x128xf32>
    %slice3A_548 = vector.extract_strided_slice %get3A_11 {offsets = [0, 5760], sizes = [1, 128], strides = [1, 1]} : vector<1x8192xf32> to vector<1x128xf32>
    %add3A_549 = vector.broadcast %slice3A_548 : vector<1x128xf32> to vector<128x128xf32>
    %add3A_550 = arith.addf %sub3A_547, %add3A_549 : vector<128x128xf32>
    %lt3A_551 = arith.cmpf olt, %add3A_550, %select_n3A_541 : vector<128x128xf32>
    %select_n3A_552 = arith.select %lt3A_551, %add3A_550, %select_n3A_541 : vector<128x128xi1>, vector<128x128xf32>
    %jit3A_553 = arith.constant 45 : i32
    %broadcast_in_dim3A_554 = vector.broadcast %jit3A_553 : i32 to vector<128x128xi32>
    %select_n3A_555 = arith.select %lt3A_551, %broadcast_in_dim3A_554, %select_n3A_544 : vector<128x128xi1>, vector<128x128xi32>
    %slice3A_556 = vector.extract_strided_slice %dot_general3A_396 {offsets = [0, 768], sizes = [128, 128], strides = [1, 1]} : vector<256x1024xf32> to vector<128x128xf32>
    %sub3A_557 = vector.broadcast %slice3A : vector<128x1xf32> to vector<128x128xf32>
    %sub3A_558 = arith.subf %sub3A_557, %slice3A_556 : vector<128x128xf32>
    %slice3A_559 = vector.extract_strided_slice %get3A_11 {offsets = [0, 5888], sizes = [1, 128], strides = [1, 1]} : vector<1x8192xf32> to vector<1x128xf32>
    %add3A_560 = vector.broadcast %slice3A_559 : vector<1x128xf32> to vector<128x128xf32>
    %add3A_561 = arith.addf %sub3A_558, %add3A_560 : vector<128x128xf32>
    %lt3A_562 = arith.cmpf olt, %add3A_561, %select_n3A_552 : vector<128x128xf32>
    %select_n3A_563 = arith.select %lt3A_562, %add3A_561, %select_n3A_552 : vector<128x128xi1>, vector<128x128xf32>
    %jit3A_564 = arith.constant 46 : i32
    %broadcast_in_dim3A_565 = vector.broadcast %jit3A_564 : i32 to vector<128x128xi32>
    %select_n3A_566 = arith.select %lt3A_562, %broadcast_in_dim3A_565, %select_n3A_555 : vector<128x128xi1>, vector<128x128xi32>
    %slice3A_567 = vector.extract_strided_slice %dot_general3A_396 {offsets = [0, 896], sizes = [128, 128], strides = [1, 1]} : vector<256x1024xf32> to vector<128x128xf32>
    %sub3A_568 = vector.broadcast %slice3A : vector<128x1xf32> to vector<128x128xf32>
    %sub3A_569 = arith.subf %sub3A_568, %slice3A_567 : vector<128x128xf32>
    %slice3A_570 = vector.extract_strided_slice %get3A_11 {offsets = [0, 6016], sizes = [1, 128], strides = [1, 1]} : vector<1x8192xf32> to vector<1x128xf32>
    %add3A_571 = vector.broadcast %slice3A_570 : vector<1x128xf32> to vector<128x128xf32>
    %add3A_572 = arith.addf %sub3A_569, %add3A_571 : vector<128x128xf32>
    %lt3A_573 = arith.cmpf olt, %add3A_572, %select_n3A_563 : vector<128x128xf32>
    %select_n3A_574 = arith.select %lt3A_573, %add3A_572, %select_n3A_563 : vector<128x128xi1>, vector<128x128xf32>
    %jit3A_575 = arith.constant 47 : i32
    %broadcast_in_dim3A_576 = vector.broadcast %jit3A_575 : i32 to vector<128x128xi32>
    %select_n3A_577 = arith.select %lt3A_573, %broadcast_in_dim3A_576, %select_n3A_566 : vector<128x128xi1>, vector<128x128xi32>
    %get3A_578 = arith.constant 7168 : index
    %get3A_579 = arith.constant 0 : index
    %get3A_580 = vector.load %arg6[%get3A_578, %get3A_579] : memref<8192x256xbf16, #tpu.memory_space<vmem>>, vector<1024x256xbf16>
    %dot_general3A_581 = arith.constant dense<0.000000e+00> : vector<256x1024xf32>
    %dot_general3A_582 = tpu.matmul %convert_element_type3A_6, %get3A_580, %dot_general3A_581 {dimension_numbers = #tpu.dot_dimension_numbers<[1], [1], [0], [0], [0, 0, 1, 0], [], []>, transpose_lhs_hint = false} : vector<256x256xbf16>, vector<1024x256xbf16>, vector<256x1024xf32> -> vector<256x1024xf32>
    %slice3A_583 = vector.extract_strided_slice %dot_general3A_489 {offsets = [0, 0], sizes = [128, 128], strides = [1, 1]} : vector<256x1024xf32> to vector<128x128xf32>
    %sub3A_584 = vector.broadcast %slice3A : vector<128x1xf32> to vector<128x128xf32>
    %sub3A_585 = arith.subf %sub3A_584, %slice3A_583 : vector<128x128xf32>
    %slice3A_586 = vector.extract_strided_slice %get3A_11 {offsets = [0, 6144], sizes = [1, 128], strides = [1, 1]} : vector<1x8192xf32> to vector<1x128xf32>
    %add3A_587 = vector.broadcast %slice3A_586 : vector<1x128xf32> to vector<128x128xf32>
    %add3A_588 = arith.addf %sub3A_585, %add3A_587 : vector<128x128xf32>
    %lt3A_589 = arith.cmpf olt, %add3A_588, %select_n3A_574 : vector<128x128xf32>
    %select_n3A_590 = arith.select %lt3A_589, %add3A_588, %select_n3A_574 : vector<128x128xi1>, vector<128x128xf32>
    %jit3A_591 = arith.constant 48 : i32
    %broadcast_in_dim3A_592 = vector.broadcast %jit3A_591 : i32 to vector<128x128xi32>
    %select_n3A_593 = arith.select %lt3A_589, %broadcast_in_dim3A_592, %select_n3A_577 : vector<128x128xi1>, vector<128x128xi32>
    %slice3A_594 = vector.extract_strided_slice %dot_general3A_489 {offsets = [0, 128], sizes = [128, 128], strides = [1, 1]} : vector<256x1024xf32> to vector<128x128xf32>
    %sub3A_595 = vector.broadcast %slice3A : vector<128x1xf32> to vector<128x128xf32>
    %sub3A_596 = arith.subf %sub3A_595, %slice3A_594 : vector<128x128xf32>
    %slice3A_597 = vector.extract_strided_slice %get3A_11 {offsets = [0, 6272], sizes = [1, 128], strides = [1, 1]} : vector<1x8192xf32> to vector<1x128xf32>
    %add3A_598 = vector.broadcast %slice3A_597 : vector<1x128xf32> to vector<128x128xf32>
    %add3A_599 = arith.addf %sub3A_596, %add3A_598 : vector<128x128xf32>
    %lt3A_600 = arith.cmpf olt, %add3A_599, %select_n3A_590 : vector<128x128xf32>
    %select_n3A_601 = arith.select %lt3A_600, %add3A_599, %select_n3A_590 : vector<128x128xi1>, vector<128x128xf32>
    %jit3A_602 = arith.constant 49 : i32
    %broadcast_in_dim3A_603 = vector.broadcast %jit3A_602 : i32 to vector<128x128xi32>
    %select_n3A_604 = arith.select %lt3A_600, %broadcast_in_dim3A_603, %select_n3A_593 : vector<128x128xi1>, vector<128x128xi32>
    %slice3A_605 = vector.extract_strided_slice %dot_general3A_489 {offsets = [0, 256], sizes = [128, 128], strides = [1, 1]} : vector<256x1024xf32> to vector<128x128xf32>
    %sub3A_606 = vector.broadcast %slice3A : vector<128x1xf32> to vector<128x128xf32>
    %sub3A_607 = arith.subf %sub3A_606, %slice3A_605 : vector<128x128xf32>
    %slice3A_608 = vector.extract_strided_slice %get3A_11 {offsets = [0, 6400], sizes = [1, 128], strides = [1, 1]} : vector<1x8192xf32> to vector<1x128xf32>
    %add3A_609 = vector.broadcast %slice3A_608 : vector<1x128xf32> to vector<128x128xf32>
    %add3A_610 = arith.addf %sub3A_607, %add3A_609 : vector<128x128xf32>
    %lt3A_611 = arith.cmpf olt, %add3A_610, %select_n3A_601 : vector<128x128xf32>
    %select_n3A_612 = arith.select %lt3A_611, %add3A_610, %select_n3A_601 : vector<128x128xi1>, vector<128x128xf32>
    %jit3A_613 = arith.constant 50 : i32
    %broadcast_in_dim3A_614 = vector.broadcast %jit3A_613 : i32 to vector<128x128xi32>
    %select_n3A_615 = arith.select %lt3A_611, %broadcast_in_dim3A_614, %select_n3A_604 : vector<128x128xi1>, vector<128x128xi32>
    %slice3A_616 = vector.extract_strided_slice %dot_general3A_489 {offsets = [0, 384], sizes = [128, 128], strides = [1, 1]} : vector<256x1024xf32> to vector<128x128xf32>
    %sub3A_617 = vector.broadcast %slice3A : vector<128x1xf32> to vector<128x128xf32>
    %sub3A_618 = arith.subf %sub3A_617, %slice3A_616 : vector<128x128xf32>
    %slice3A_619 = vector.extract_strided_slice %get3A_11 {offsets = [0, 6528], sizes = [1, 128], strides = [1, 1]} : vector<1x8192xf32> to vector<1x128xf32>
    %add3A_620 = vector.broadcast %slice3A_619 : vector<1x128xf32> to vector<128x128xf32>
    %add3A_621 = arith.addf %sub3A_618, %add3A_620 : vector<128x128xf32>
    %lt3A_622 = arith.cmpf olt, %add3A_621, %select_n3A_612 : vector<128x128xf32>
    %select_n3A_623 = arith.select %lt3A_622, %add3A_621, %select_n3A_612 : vector<128x128xi1>, vector<128x128xf32>
    %jit3A_624 = arith.constant 51 : i32
    %broadcast_in_dim3A_625 = vector.broadcast %jit3A_624 : i32 to vector<128x128xi32>
    %select_n3A_626 = arith.select %lt3A_622, %broadcast_in_dim3A_625, %select_n3A_615 : vector<128x128xi1>, vector<128x128xi32>
    %slice3A_627 = vector.extract_strided_slice %dot_general3A_489 {offsets = [0, 512], sizes = [128, 128], strides = [1, 1]} : vector<256x1024xf32> to vector<128x128xf32>
    %sub3A_628 = vector.broadcast %slice3A : vector<128x1xf32> to vector<128x128xf32>
    %sub3A_629 = arith.subf %sub3A_628, %slice3A_627 : vector<128x128xf32>
    %slice3A_630 = vector.extract_strided_slice %get3A_11 {offsets = [0, 6656], sizes = [1, 128], strides = [1, 1]} : vector<1x8192xf32> to vector<1x128xf32>
    %add3A_631 = vector.broadcast %slice3A_630 : vector<1x128xf32> to vector<128x128xf32>
    %add3A_632 = arith.addf %sub3A_629, %add3A_631 : vector<128x128xf32>
    %lt3A_633 = arith.cmpf olt, %add3A_632, %select_n3A_623 : vector<128x128xf32>
    %select_n3A_634 = arith.select %lt3A_633, %add3A_632, %select_n3A_623 : vector<128x128xi1>, vector<128x128xf32>
    %jit3A_635 = arith.constant 52 : i32
    %broadcast_in_dim3A_636 = vector.broadcast %jit3A_635 : i32 to vector<128x128xi32>
    %select_n3A_637 = arith.select %lt3A_633, %broadcast_in_dim3A_636, %select_n3A_626 : vector<128x128xi1>, vector<128x128xi32>
    %slice3A_638 = vector.extract_strided_slice %dot_general3A_489 {offsets = [0, 640], sizes = [128, 128], strides = [1, 1]} : vector<256x1024xf32> to vector<128x128xf32>
    %sub3A_639 = vector.broadcast %slice3A : vector<128x1xf32> to vector<128x128xf32>
    %sub3A_640 = arith.subf %sub3A_639, %slice3A_638 : vector<128x128xf32>
    %slice3A_641 = vector.extract_strided_slice %get3A_11 {offsets = [0, 6784], sizes = [1, 128], strides = [1, 1]} : vector<1x8192xf32> to vector<1x128xf32>
    %add3A_642 = vector.broadcast %slice3A_641 : vector<1x128xf32> to vector<128x128xf32>
    %add3A_643 = arith.addf %sub3A_640, %add3A_642 : vector<128x128xf32>
    %lt3A_644 = arith.cmpf olt, %add3A_643, %select_n3A_634 : vector<128x128xf32>
    %select_n3A_645 = arith.select %lt3A_644, %add3A_643, %select_n3A_634 : vector<128x128xi1>, vector<128x128xf32>
    %jit3A_646 = arith.constant 53 : i32
    %broadcast_in_dim3A_647 = vector.broadcast %jit3A_646 : i32 to vector<128x128xi32>
    %select_n3A_648 = arith.select %lt3A_644, %broadcast_in_dim3A_647, %select_n3A_637 : vector<128x128xi1>, vector<128x128xi32>
    %slice3A_649 = vector.extract_strided_slice %dot_general3A_489 {offsets = [0, 768], sizes = [128, 128], strides = [1, 1]} : vector<256x1024xf32> to vector<128x128xf32>
    %sub3A_650 = vector.broadcast %slice3A : vector<128x1xf32> to vector<128x128xf32>
    %sub3A_651 = arith.subf %sub3A_650, %slice3A_649 : vector<128x128xf32>
    %slice3A_652 = vector.extract_strided_slice %get3A_11 {offsets = [0, 6912], sizes = [1, 128], strides = [1, 1]} : vector<1x8192xf32> to vector<1x128xf32>
    %add3A_653 = vector.broadcast %slice3A_652 : vector<1x128xf32> to vector<128x128xf32>
    %add3A_654 = arith.addf %sub3A_651, %add3A_653 : vector<128x128xf32>
    %lt3A_655 = arith.cmpf olt, %add3A_654, %select_n3A_645 : vector<128x128xf32>
    %select_n3A_656 = arith.select %lt3A_655, %add3A_654, %select_n3A_645 : vector<128x128xi1>, vector<128x128xf32>
    %jit3A_657 = arith.constant 54 : i32
    %broadcast_in_dim3A_658 = vector.broadcast %jit3A_657 : i32 to vector<128x128xi32>
    %select_n3A_659 = arith.select %lt3A_655, %broadcast_in_dim3A_658, %select_n3A_648 : vector<128x128xi1>, vector<128x128xi32>
    %slice3A_660 = vector.extract_strided_slice %dot_general3A_489 {offsets = [0, 896], sizes = [128, 128], strides = [1, 1]} : vector<256x1024xf32> to vector<128x128xf32>
    %sub3A_661 = vector.broadcast %slice3A : vector<128x1xf32> to vector<128x128xf32>
    %sub3A_662 = arith.subf %sub3A_661, %slice3A_660 : vector<128x128xf32>
    %slice3A_663 = vector.extract_strided_slice %get3A_11 {offsets = [0, 7040], sizes = [1, 128], strides = [1, 1]} : vector<1x8192xf32> to vector<1x128xf32>
    %add3A_664 = vector.broadcast %slice3A_663 : vector<1x128xf32> to vector<128x128xf32>
    %add3A_665 = arith.addf %sub3A_662, %add3A_664 : vector<128x128xf32>
    %lt3A_666 = arith.cmpf olt, %add3A_665, %select_n3A_656 : vector<128x128xf32>
    %select_n3A_667 = arith.select %lt3A_666, %add3A_665, %select_n3A_656 : vector<128x128xi1>, vector<128x128xf32>
    %jit3A_668 = arith.constant 55 : i32
    %broadcast_in_dim3A_669 = vector.broadcast %jit3A_668 : i32 to vector<128x128xi32>
    %select_n3A_670 = arith.select %lt3A_666, %broadcast_in_dim3A_669, %select_n3A_659 : vector<128x128xi1>, vector<128x128xi32>
    %slice3A_671 = vector.extract_strided_slice %dot_general3A_582 {offsets = [0, 0], sizes = [128, 128], strides = [1, 1]} : vector<256x1024xf32> to vector<128x128xf32>
    %sub3A_672 = vector.broadcast %slice3A : vector<128x1xf32> to vector<128x128xf32>
    %sub3A_673 = arith.subf %sub3A_672, %slice3A_671 : vector<128x128xf32>
    %slice3A_674 = vector.extract_strided_slice %get3A_11 {offsets = [0, 7168], sizes = [1, 128], strides = [1, 1]} : vector<1x8192xf32> to vector<1x128xf32>
    %add3A_675 = vector.broadcast %slice3A_674 : vector<1x128xf32> to vector<128x128xf32>
    %add3A_676 = arith.addf %sub3A_673, %add3A_675 : vector<128x128xf32>
    %lt3A_677 = arith.cmpf olt, %add3A_676, %select_n3A_667 : vector<128x128xf32>
    %select_n3A_678 = arith.select %lt3A_677, %add3A_676, %select_n3A_667 : vector<128x128xi1>, vector<128x128xf32>
    %jit3A_679 = arith.constant 56 : i32
    %broadcast_in_dim3A_680 = vector.broadcast %jit3A_679 : i32 to vector<128x128xi32>
    %select_n3A_681 = arith.select %lt3A_677, %broadcast_in_dim3A_680, %select_n3A_670 : vector<128x128xi1>, vector<128x128xi32>
    %slice3A_682 = vector.extract_strided_slice %dot_general3A_582 {offsets = [0, 128], sizes = [128, 128], strides = [1, 1]} : vector<256x1024xf32> to vector<128x128xf32>
    %sub3A_683 = vector.broadcast %slice3A : vector<128x1xf32> to vector<128x128xf32>
    %sub3A_684 = arith.subf %sub3A_683, %slice3A_682 : vector<128x128xf32>
    %slice3A_685 = vector.extract_strided_slice %get3A_11 {offsets = [0, 7296], sizes = [1, 128], strides = [1, 1]} : vector<1x8192xf32> to vector<1x128xf32>
    %add3A_686 = vector.broadcast %slice3A_685 : vector<1x128xf32> to vector<128x128xf32>
    %add3A_687 = arith.addf %sub3A_684, %add3A_686 : vector<128x128xf32>
    %lt3A_688 = arith.cmpf olt, %add3A_687, %select_n3A_678 : vector<128x128xf32>
    %select_n3A_689 = arith.select %lt3A_688, %add3A_687, %select_n3A_678 : vector<128x128xi1>, vector<128x128xf32>
    %jit3A_690 = arith.constant 57 : i32
    %broadcast_in_dim3A_691 = vector.broadcast %jit3A_690 : i32 to vector<128x128xi32>
    %select_n3A_692 = arith.select %lt3A_688, %broadcast_in_dim3A_691, %select_n3A_681 : vector<128x128xi1>, vector<128x128xi32>
    %slice3A_693 = vector.extract_strided_slice %dot_general3A_582 {offsets = [0, 256], sizes = [128, 128], strides = [1, 1]} : vector<256x1024xf32> to vector<128x128xf32>
    %sub3A_694 = vector.broadcast %slice3A : vector<128x1xf32> to vector<128x128xf32>
    %sub3A_695 = arith.subf %sub3A_694, %slice3A_693 : vector<128x128xf32>
    %slice3A_696 = vector.extract_strided_slice %get3A_11 {offsets = [0, 7424], sizes = [1, 128], strides = [1, 1]} : vector<1x8192xf32> to vector<1x128xf32>
    %add3A_697 = vector.broadcast %slice3A_696 : vector<1x128xf32> to vector<128x128xf32>
    %add3A_698 = arith.addf %sub3A_695, %add3A_697 : vector<128x128xf32>
    %lt3A_699 = arith.cmpf olt, %add3A_698, %select_n3A_689 : vector<128x128xf32>
    %select_n3A_700 = arith.select %lt3A_699, %add3A_698, %select_n3A_689 : vector<128x128xi1>, vector<128x128xf32>
    %jit3A_701 = arith.constant 58 : i32
    %broadcast_in_dim3A_702 = vector.broadcast %jit3A_701 : i32 to vector<128x128xi32>
    %select_n3A_703 = arith.select %lt3A_699, %broadcast_in_dim3A_702, %select_n3A_692 : vector<128x128xi1>, vector<128x128xi32>
    %slice3A_704 = vector.extract_strided_slice %dot_general3A_582 {offsets = [0, 384], sizes = [128, 128], strides = [1, 1]} : vector<256x1024xf32> to vector<128x128xf32>
    %sub3A_705 = vector.broadcast %slice3A : vector<128x1xf32> to vector<128x128xf32>
    %sub3A_706 = arith.subf %sub3A_705, %slice3A_704 : vector<128x128xf32>
    %slice3A_707 = vector.extract_strided_slice %get3A_11 {offsets = [0, 7552], sizes = [1, 128], strides = [1, 1]} : vector<1x8192xf32> to vector<1x128xf32>
    %add3A_708 = vector.broadcast %slice3A_707 : vector<1x128xf32> to vector<128x128xf32>
    %add3A_709 = arith.addf %sub3A_706, %add3A_708 : vector<128x128xf32>
    %lt3A_710 = arith.cmpf olt, %add3A_709, %select_n3A_700 : vector<128x128xf32>
    %select_n3A_711 = arith.select %lt3A_710, %add3A_709, %select_n3A_700 : vector<128x128xi1>, vector<128x128xf32>
    %jit3A_712 = arith.constant 59 : i32
    %broadcast_in_dim3A_713 = vector.broadcast %jit3A_712 : i32 to vector<128x128xi32>
    %select_n3A_714 = arith.select %lt3A_710, %broadcast_in_dim3A_713, %select_n3A_703 : vector<128x128xi1>, vector<128x128xi32>
    %slice3A_715 = vector.extract_strided_slice %dot_general3A_582 {offsets = [0, 512], sizes = [128, 128], strides = [1, 1]} : vector<256x1024xf32> to vector<128x128xf32>
    %sub3A_716 = vector.broadcast %slice3A : vector<128x1xf32> to vector<128x128xf32>
    %sub3A_717 = arith.subf %sub3A_716, %slice3A_715 : vector<128x128xf32>
    %slice3A_718 = vector.extract_strided_slice %get3A_11 {offsets = [0, 7680], sizes = [1, 128], strides = [1, 1]} : vector<1x8192xf32> to vector<1x128xf32>
    %add3A_719 = vector.broadcast %slice3A_718 : vector<1x128xf32> to vector<128x128xf32>
    %add3A_720 = arith.addf %sub3A_717, %add3A_719 : vector<128x128xf32>
    %lt3A_721 = arith.cmpf olt, %add3A_720, %select_n3A_711 : vector<128x128xf32>
    %select_n3A_722 = arith.select %lt3A_721, %add3A_720, %select_n3A_711 : vector<128x128xi1>, vector<128x128xf32>
    %jit3A_723 = arith.constant 60 : i32
    %broadcast_in_dim3A_724 = vector.broadcast %jit3A_723 : i32 to vector<128x128xi32>
    %select_n3A_725 = arith.select %lt3A_721, %broadcast_in_dim3A_724, %select_n3A_714 : vector<128x128xi1>, vector<128x128xi32>
    %slice3A_726 = vector.extract_strided_slice %dot_general3A_582 {offsets = [0, 640], sizes = [128, 128], strides = [1, 1]} : vector<256x1024xf32> to vector<128x128xf32>
    %sub3A_727 = vector.broadcast %slice3A : vector<128x1xf32> to vector<128x128xf32>
    %sub3A_728 = arith.subf %sub3A_727, %slice3A_726 : vector<128x128xf32>
    %slice3A_729 = vector.extract_strided_slice %get3A_11 {offsets = [0, 7808], sizes = [1, 128], strides = [1, 1]} : vector<1x8192xf32> to vector<1x128xf32>
    %add3A_730 = vector.broadcast %slice3A_729 : vector<1x128xf32> to vector<128x128xf32>
    %add3A_731 = arith.addf %sub3A_728, %add3A_730 : vector<128x128xf32>
    %lt3A_732 = arith.cmpf olt, %add3A_731, %select_n3A_722 : vector<128x128xf32>
    %select_n3A_733 = arith.select %lt3A_732, %add3A_731, %select_n3A_722 : vector<128x128xi1>, vector<128x128xf32>
    %jit3A_734 = arith.constant 61 : i32
    %broadcast_in_dim3A_735 = vector.broadcast %jit3A_734 : i32 to vector<128x128xi32>
    %select_n3A_736 = arith.select %lt3A_732, %broadcast_in_dim3A_735, %select_n3A_725 : vector<128x128xi1>, vector<128x128xi32>
    %slice3A_737 = vector.extract_strided_slice %dot_general3A_582 {offsets = [0, 768], sizes = [128, 128], strides = [1, 1]} : vector<256x1024xf32> to vector<128x128xf32>
    %sub3A_738 = vector.broadcast %slice3A : vector<128x1xf32> to vector<128x128xf32>
    %sub3A_739 = arith.subf %sub3A_738, %slice3A_737 : vector<128x128xf32>
    %slice3A_740 = vector.extract_strided_slice %get3A_11 {offsets = [0, 7936], sizes = [1, 128], strides = [1, 1]} : vector<1x8192xf32> to vector<1x128xf32>
    %add3A_741 = vector.broadcast %slice3A_740 : vector<1x128xf32> to vector<128x128xf32>
    %add3A_742 = arith.addf %sub3A_739, %add3A_741 : vector<128x128xf32>
    %lt3A_743 = arith.cmpf olt, %add3A_742, %select_n3A_733 : vector<128x128xf32>
    %select_n3A_744 = arith.select %lt3A_743, %add3A_742, %select_n3A_733 : vector<128x128xi1>, vector<128x128xf32>
    %jit3A_745 = arith.constant 62 : i32
    %broadcast_in_dim3A_746 = vector.broadcast %jit3A_745 : i32 to vector<128x128xi32>
    %select_n3A_747 = arith.select %lt3A_743, %broadcast_in_dim3A_746, %select_n3A_736 : vector<128x128xi1>, vector<128x128xi32>
    %slice3A_748 = vector.extract_strided_slice %dot_general3A_582 {offsets = [0, 896], sizes = [128, 128], strides = [1, 1]} : vector<256x1024xf32> to vector<128x128xf32>
    %sub3A_749 = vector.broadcast %slice3A : vector<128x1xf32> to vector<128x128xf32>
    %sub3A_750 = arith.subf %sub3A_749, %slice3A_748 : vector<128x128xf32>
    %slice3A_751 = vector.extract_strided_slice %get3A_11 {offsets = [0, 8064], sizes = [1, 128], strides = [1, 1]} : vector<1x8192xf32> to vector<1x128xf32>
    %add3A_752 = vector.broadcast %slice3A_751 : vector<1x128xf32> to vector<128x128xf32>
    %add3A_753 = arith.addf %sub3A_750, %add3A_752 : vector<128x128xf32>
    %lt3A_754 = arith.cmpf olt, %add3A_753, %select_n3A_744 : vector<128x128xf32>
    %select_n3A_755 = arith.select %lt3A_754, %add3A_753, %select_n3A_744 : vector<128x128xi1>, vector<128x128xf32>
    %jit3A_756 = arith.constant 63 : i32
    %broadcast_in_dim3A_757 = vector.broadcast %jit3A_756 : i32 to vector<128x128xi32>
    %select_n3A_758 = arith.select %lt3A_754, %broadcast_in_dim3A_757, %select_n3A_747 : vector<128x128xi1>, vector<128x128xi32>
    %slice3A_759 = vector.extract_strided_slice %dot_general3A_24 {offsets = [128, 0], sizes = [128, 128], strides = [1, 1]} : vector<256x1024xf32> to vector<128x128xf32>
    %sub3A_760 = vector.broadcast %slice3A_12 : vector<128x1xf32> to vector<128x128xf32>
    %sub3A_761 = arith.subf %sub3A_760, %slice3A_759 : vector<128x128xf32>
    %slice3A_762 = vector.extract_strided_slice %get3A_11 {offsets = [0, 0], sizes = [1, 128], strides = [1, 1]} : vector<1x8192xf32> to vector<1x128xf32>
    %add3A_763 = vector.broadcast %slice3A_762 : vector<1x128xf32> to vector<128x128xf32>
    %add3A_764 = arith.addf %sub3A_761, %add3A_763 : vector<128x128xf32>
    %lt3A_765 = arith.cmpf olt, %add3A_764, %broadcast_in_dim3A_16 : vector<128x128xf32>
    %select_n3A_766 = arith.select %lt3A_765, %add3A_764, %broadcast_in_dim3A_16 : vector<128x128xi1>, vector<128x128xf32>
    %jit3A_767 = arith.constant 0 : i32
    %broadcast_in_dim3A_768 = vector.broadcast %jit3A_767 : i32 to vector<128x128xi32>
    %select_n3A_769 = arith.select %lt3A_765, %broadcast_in_dim3A_768, %broadcast_in_dim3A_20 : vector<128x128xi1>, vector<128x128xi32>
    %slice3A_770 = vector.extract_strided_slice %dot_general3A_24 {offsets = [128, 128], sizes = [128, 128], strides = [1, 1]} : vector<256x1024xf32> to vector<128x128xf32>
    %sub3A_771 = vector.broadcast %slice3A_12 : vector<128x1xf32> to vector<128x128xf32>
    %sub3A_772 = arith.subf %sub3A_771, %slice3A_770 : vector<128x128xf32>
    %slice3A_773 = vector.extract_strided_slice %get3A_11 {offsets = [0, 128], sizes = [1, 128], strides = [1, 1]} : vector<1x8192xf32> to vector<1x128xf32>
    %add3A_774 = vector.broadcast %slice3A_773 : vector<1x128xf32> to vector<128x128xf32>
    %add3A_775 = arith.addf %sub3A_772, %add3A_774 : vector<128x128xf32>
    %lt3A_776 = arith.cmpf olt, %add3A_775, %select_n3A_766 : vector<128x128xf32>
    %select_n3A_777 = arith.select %lt3A_776, %add3A_775, %select_n3A_766 : vector<128x128xi1>, vector<128x128xf32>
    %jit3A_778 = arith.constant 1 : i32
    %broadcast_in_dim3A_779 = vector.broadcast %jit3A_778 : i32 to vector<128x128xi32>
    %select_n3A_780 = arith.select %lt3A_776, %broadcast_in_dim3A_779, %select_n3A_769 : vector<128x128xi1>, vector<128x128xi32>
    %slice3A_781 = vector.extract_strided_slice %dot_general3A_24 {offsets = [128, 256], sizes = [128, 128], strides = [1, 1]} : vector<256x1024xf32> to vector<128x128xf32>
    %sub3A_782 = vector.broadcast %slice3A_12 : vector<128x1xf32> to vector<128x128xf32>
    %sub3A_783 = arith.subf %sub3A_782, %slice3A_781 : vector<128x128xf32>
    %slice3A_784 = vector.extract_strided_slice %get3A_11 {offsets = [0, 256], sizes = [1, 128], strides = [1, 1]} : vector<1x8192xf32> to vector<1x128xf32>
    %add3A_785 = vector.broadcast %slice3A_784 : vector<1x128xf32> to vector<128x128xf32>
    %add3A_786 = arith.addf %sub3A_783, %add3A_785 : vector<128x128xf32>
    %lt3A_787 = arith.cmpf olt, %add3A_786, %select_n3A_777 : vector<128x128xf32>
    %select_n3A_788 = arith.select %lt3A_787, %add3A_786, %select_n3A_777 : vector<128x128xi1>, vector<128x128xf32>
    %jit3A_789 = arith.constant 2 : i32
    %broadcast_in_dim3A_790 = vector.broadcast %jit3A_789 : i32 to vector<128x128xi32>
    %select_n3A_791 = arith.select %lt3A_787, %broadcast_in_dim3A_790, %select_n3A_780 : vector<128x128xi1>, vector<128x128xi32>
    %slice3A_792 = vector.extract_strided_slice %dot_general3A_24 {offsets = [128, 384], sizes = [128, 128], strides = [1, 1]} : vector<256x1024xf32> to vector<128x128xf32>
    %sub3A_793 = vector.broadcast %slice3A_12 : vector<128x1xf32> to vector<128x128xf32>
    %sub3A_794 = arith.subf %sub3A_793, %slice3A_792 : vector<128x128xf32>
    %slice3A_795 = vector.extract_strided_slice %get3A_11 {offsets = [0, 384], sizes = [1, 128], strides = [1, 1]} : vector<1x8192xf32> to vector<1x128xf32>
    %add3A_796 = vector.broadcast %slice3A_795 : vector<1x128xf32> to vector<128x128xf32>
    %add3A_797 = arith.addf %sub3A_794, %add3A_796 : vector<128x128xf32>
    %lt3A_798 = arith.cmpf olt, %add3A_797, %select_n3A_788 : vector<128x128xf32>
    %select_n3A_799 = arith.select %lt3A_798, %add3A_797, %select_n3A_788 : vector<128x128xi1>, vector<128x128xf32>
    %jit3A_800 = arith.constant 3 : i32
    %broadcast_in_dim3A_801 = vector.broadcast %jit3A_800 : i32 to vector<128x128xi32>
    %select_n3A_802 = arith.select %lt3A_798, %broadcast_in_dim3A_801, %select_n3A_791 : vector<128x128xi1>, vector<128x128xi32>
    %slice3A_803 = vector.extract_strided_slice %dot_general3A_24 {offsets = [128, 512], sizes = [128, 128], strides = [1, 1]} : vector<256x1024xf32> to vector<128x128xf32>
    %sub3A_804 = vector.broadcast %slice3A_12 : vector<128x1xf32> to vector<128x128xf32>
    %sub3A_805 = arith.subf %sub3A_804, %slice3A_803 : vector<128x128xf32>
    %slice3A_806 = vector.extract_strided_slice %get3A_11 {offsets = [0, 512], sizes = [1, 128], strides = [1, 1]} : vector<1x8192xf32> to vector<1x128xf32>
    %add3A_807 = vector.broadcast %slice3A_806 : vector<1x128xf32> to vector<128x128xf32>
    %add3A_808 = arith.addf %sub3A_805, %add3A_807 : vector<128x128xf32>
    %lt3A_809 = arith.cmpf olt, %add3A_808, %select_n3A_799 : vector<128x128xf32>
    %select_n3A_810 = arith.select %lt3A_809, %add3A_808, %select_n3A_799 : vector<128x128xi1>, vector<128x128xf32>
    %jit3A_811 = arith.constant 4 : i32
    %broadcast_in_dim3A_812 = vector.broadcast %jit3A_811 : i32 to vector<128x128xi32>
    %select_n3A_813 = arith.select %lt3A_809, %broadcast_in_dim3A_812, %select_n3A_802 : vector<128x128xi1>, vector<128x128xi32>
    %slice3A_814 = vector.extract_strided_slice %dot_general3A_24 {offsets = [128, 640], sizes = [128, 128], strides = [1, 1]} : vector<256x1024xf32> to vector<128x128xf32>
    %sub3A_815 = vector.broadcast %slice3A_12 : vector<128x1xf32> to vector<128x128xf32>
    %sub3A_816 = arith.subf %sub3A_815, %slice3A_814 : vector<128x128xf32>
    %slice3A_817 = vector.extract_strided_slice %get3A_11 {offsets = [0, 640], sizes = [1, 128], strides = [1, 1]} : vector<1x8192xf32> to vector<1x128xf32>
    %add3A_818 = vector.broadcast %slice3A_817 : vector<1x128xf32> to vector<128x128xf32>
    %add3A_819 = arith.addf %sub3A_816, %add3A_818 : vector<128x128xf32>
    %lt3A_820 = arith.cmpf olt, %add3A_819, %select_n3A_810 : vector<128x128xf32>
    %select_n3A_821 = arith.select %lt3A_820, %add3A_819, %select_n3A_810 : vector<128x128xi1>, vector<128x128xf32>
    %jit3A_822 = arith.constant 5 : i32
    %broadcast_in_dim3A_823 = vector.broadcast %jit3A_822 : i32 to vector<128x128xi32>
    %select_n3A_824 = arith.select %lt3A_820, %broadcast_in_dim3A_823, %select_n3A_813 : vector<128x128xi1>, vector<128x128xi32>
    %slice3A_825 = vector.extract_strided_slice %dot_general3A_24 {offsets = [128, 768], sizes = [128, 128], strides = [1, 1]} : vector<256x1024xf32> to vector<128x128xf32>
    %sub3A_826 = vector.broadcast %slice3A_12 : vector<128x1xf32> to vector<128x128xf32>
    %sub3A_827 = arith.subf %sub3A_826, %slice3A_825 : vector<128x128xf32>
    %slice3A_828 = vector.extract_strided_slice %get3A_11 {offsets = [0, 768], sizes = [1, 128], strides = [1, 1]} : vector<1x8192xf32> to vector<1x128xf32>
    %add3A_829 = vector.broadcast %slice3A_828 : vector<1x128xf32> to vector<128x128xf32>
    %add3A_830 = arith.addf %sub3A_827, %add3A_829 : vector<128x128xf32>
    %lt3A_831 = arith.cmpf olt, %add3A_830, %select_n3A_821 : vector<128x128xf32>
    %select_n3A_832 = arith.select %lt3A_831, %add3A_830, %select_n3A_821 : vector<128x128xi1>, vector<128x128xf32>
    %jit3A_833 = arith.constant 6 : i32
    %broadcast_in_dim3A_834 = vector.broadcast %jit3A_833 : i32 to vector<128x128xi32>
    %select_n3A_835 = arith.select %lt3A_831, %broadcast_in_dim3A_834, %select_n3A_824 : vector<128x128xi1>, vector<128x128xi32>
    %slice3A_836 = vector.extract_strided_slice %dot_general3A_24 {offsets = [128, 896], sizes = [128, 128], strides = [1, 1]} : vector<256x1024xf32> to vector<128x128xf32>
    %sub3A_837 = vector.broadcast %slice3A_12 : vector<128x1xf32> to vector<128x128xf32>
    %sub3A_838 = arith.subf %sub3A_837, %slice3A_836 : vector<128x128xf32>
    %slice3A_839 = vector.extract_strided_slice %get3A_11 {offsets = [0, 896], sizes = [1, 128], strides = [1, 1]} : vector<1x8192xf32> to vector<1x128xf32>
    %add3A_840 = vector.broadcast %slice3A_839 : vector<1x128xf32> to vector<128x128xf32>
    %add3A_841 = arith.addf %sub3A_838, %add3A_840 : vector<128x128xf32>
    %lt3A_842 = arith.cmpf olt, %add3A_841, %select_n3A_832 : vector<128x128xf32>
    %select_n3A_843 = arith.select %lt3A_842, %add3A_841, %select_n3A_832 : vector<128x128xi1>, vector<128x128xf32>
    %jit3A_844 = arith.constant 7 : i32
    %broadcast_in_dim3A_845 = vector.broadcast %jit3A_844 : i32 to vector<128x128xi32>
    %select_n3A_846 = arith.select %lt3A_842, %broadcast_in_dim3A_845, %select_n3A_835 : vector<128x128xi1>, vector<128x128xi32>
    %slice3A_847 = vector.extract_strided_slice %dot_general3A_29 {offsets = [128, 0], sizes = [128, 128], strides = [1, 1]} : vector<256x1024xf32> to vector<128x128xf32>
    %sub3A_848 = vector.broadcast %slice3A_12 : vector<128x1xf32> to vector<128x128xf32>
    %sub3A_849 = arith.subf %sub3A_848, %slice3A_847 : vector<128x128xf32>
    %slice3A_850 = vector.extract_strided_slice %get3A_11 {offsets = [0, 1024], sizes = [1, 128], strides = [1, 1]} : vector<1x8192xf32> to vector<1x128xf32>
    %add3A_851 = vector.broadcast %slice3A_850 : vector<1x128xf32> to vector<128x128xf32>
    %add3A_852 = arith.addf %sub3A_849, %add3A_851 : vector<128x128xf32>
    %lt3A_853 = arith.cmpf olt, %add3A_852, %select_n3A_843 : vector<128x128xf32>
    %select_n3A_854 = arith.select %lt3A_853, %add3A_852, %select_n3A_843 : vector<128x128xi1>, vector<128x128xf32>
    %jit3A_855 = arith.constant 8 : i32
    %broadcast_in_dim3A_856 = vector.broadcast %jit3A_855 : i32 to vector<128x128xi32>
    %select_n3A_857 = arith.select %lt3A_853, %broadcast_in_dim3A_856, %select_n3A_846 : vector<128x128xi1>, vector<128x128xi32>
    %slice3A_858 = vector.extract_strided_slice %dot_general3A_29 {offsets = [128, 128], sizes = [128, 128], strides = [1, 1]} : vector<256x1024xf32> to vector<128x128xf32>
    %sub3A_859 = vector.broadcast %slice3A_12 : vector<128x1xf32> to vector<128x128xf32>
    %sub3A_860 = arith.subf %sub3A_859, %slice3A_858 : vector<128x128xf32>
    %slice3A_861 = vector.extract_strided_slice %get3A_11 {offsets = [0, 1152], sizes = [1, 128], strides = [1, 1]} : vector<1x8192xf32> to vector<1x128xf32>
    %add3A_862 = vector.broadcast %slice3A_861 : vector<1x128xf32> to vector<128x128xf32>
    %add3A_863 = arith.addf %sub3A_860, %add3A_862 : vector<128x128xf32>
    %lt3A_864 = arith.cmpf olt, %add3A_863, %select_n3A_854 : vector<128x128xf32>
    %select_n3A_865 = arith.select %lt3A_864, %add3A_863, %select_n3A_854 : vector<128x128xi1>, vector<128x128xf32>
    %jit3A_866 = arith.constant 9 : i32
    %broadcast_in_dim3A_867 = vector.broadcast %jit3A_866 : i32 to vector<128x128xi32>
    %select_n3A_868 = arith.select %lt3A_864, %broadcast_in_dim3A_867, %select_n3A_857 : vector<128x128xi1>, vector<128x128xi32>
    %slice3A_869 = vector.extract_strided_slice %dot_general3A_29 {offsets = [128, 256], sizes = [128, 128], strides = [1, 1]} : vector<256x1024xf32> to vector<128x128xf32>
    %sub3A_870 = vector.broadcast %slice3A_12 : vector<128x1xf32> to vector<128x128xf32>
    %sub3A_871 = arith.subf %sub3A_870, %slice3A_869 : vector<128x128xf32>
    %slice3A_872 = vector.extract_strided_slice %get3A_11 {offsets = [0, 1280], sizes = [1, 128], strides = [1, 1]} : vector<1x8192xf32> to vector<1x128xf32>
    %add3A_873 = vector.broadcast %slice3A_872 : vector<1x128xf32> to vector<128x128xf32>
    %add3A_874 = arith.addf %sub3A_871, %add3A_873 : vector<128x128xf32>
    %lt3A_875 = arith.cmpf olt, %add3A_874, %select_n3A_865 : vector<128x128xf32>
    %select_n3A_876 = arith.select %lt3A_875, %add3A_874, %select_n3A_865 : vector<128x128xi1>, vector<128x128xf32>
    %jit3A_877 = arith.constant 10 : i32
    %broadcast_in_dim3A_878 = vector.broadcast %jit3A_877 : i32 to vector<128x128xi32>
    %select_n3A_879 = arith.select %lt3A_875, %broadcast_in_dim3A_878, %select_n3A_868 : vector<128x128xi1>, vector<128x128xi32>
    %slice3A_880 = vector.extract_strided_slice %dot_general3A_29 {offsets = [128, 384], sizes = [128, 128], strides = [1, 1]} : vector<256x1024xf32> to vector<128x128xf32>
    %sub3A_881 = vector.broadcast %slice3A_12 : vector<128x1xf32> to vector<128x128xf32>
    %sub3A_882 = arith.subf %sub3A_881, %slice3A_880 : vector<128x128xf32>
    %slice3A_883 = vector.extract_strided_slice %get3A_11 {offsets = [0, 1408], sizes = [1, 128], strides = [1, 1]} : vector<1x8192xf32> to vector<1x128xf32>
    %add3A_884 = vector.broadcast %slice3A_883 : vector<1x128xf32> to vector<128x128xf32>
    %add3A_885 = arith.addf %sub3A_882, %add3A_884 : vector<128x128xf32>
    %lt3A_886 = arith.cmpf olt, %add3A_885, %select_n3A_876 : vector<128x128xf32>
    %select_n3A_887 = arith.select %lt3A_886, %add3A_885, %select_n3A_876 : vector<128x128xi1>, vector<128x128xf32>
    %jit3A_888 = arith.constant 11 : i32
    %broadcast_in_dim3A_889 = vector.broadcast %jit3A_888 : i32 to vector<128x128xi32>
    %select_n3A_890 = arith.select %lt3A_886, %broadcast_in_dim3A_889, %select_n3A_879 : vector<128x128xi1>, vector<128x128xi32>
    %slice3A_891 = vector.extract_strided_slice %dot_general3A_29 {offsets = [128, 512], sizes = [128, 128], strides = [1, 1]} : vector<256x1024xf32> to vector<128x128xf32>
    %sub3A_892 = vector.broadcast %slice3A_12 : vector<128x1xf32> to vector<128x128xf32>
    %sub3A_893 = arith.subf %sub3A_892, %slice3A_891 : vector<128x128xf32>
    %slice3A_894 = vector.extract_strided_slice %get3A_11 {offsets = [0, 1536], sizes = [1, 128], strides = [1, 1]} : vector<1x8192xf32> to vector<1x128xf32>
    %add3A_895 = vector.broadcast %slice3A_894 : vector<1x128xf32> to vector<128x128xf32>
    %add3A_896 = arith.addf %sub3A_893, %add3A_895 : vector<128x128xf32>
    %lt3A_897 = arith.cmpf olt, %add3A_896, %select_n3A_887 : vector<128x128xf32>
    %select_n3A_898 = arith.select %lt3A_897, %add3A_896, %select_n3A_887 : vector<128x128xi1>, vector<128x128xf32>
    %jit3A_899 = arith.constant 12 : i32
    %broadcast_in_dim3A_900 = vector.broadcast %jit3A_899 : i32 to vector<128x128xi32>
    %select_n3A_901 = arith.select %lt3A_897, %broadcast_in_dim3A_900, %select_n3A_890 : vector<128x128xi1>, vector<128x128xi32>
    %slice3A_902 = vector.extract_strided_slice %dot_general3A_29 {offsets = [128, 640], sizes = [128, 128], strides = [1, 1]} : vector<256x1024xf32> to vector<128x128xf32>
    %sub3A_903 = vector.broadcast %slice3A_12 : vector<128x1xf32> to vector<128x128xf32>
    %sub3A_904 = arith.subf %sub3A_903, %slice3A_902 : vector<128x128xf32>
    %slice3A_905 = vector.extract_strided_slice %get3A_11 {offsets = [0, 1664], sizes = [1, 128], strides = [1, 1]} : vector<1x8192xf32> to vector<1x128xf32>
    %add3A_906 = vector.broadcast %slice3A_905 : vector<1x128xf32> to vector<128x128xf32>
    %add3A_907 = arith.addf %sub3A_904, %add3A_906 : vector<128x128xf32>
    %lt3A_908 = arith.cmpf olt, %add3A_907, %select_n3A_898 : vector<128x128xf32>
    %select_n3A_909 = arith.select %lt3A_908, %add3A_907, %select_n3A_898 : vector<128x128xi1>, vector<128x128xf32>
    %jit3A_910 = arith.constant 13 : i32
    %broadcast_in_dim3A_911 = vector.broadcast %jit3A_910 : i32 to vector<128x128xi32>
    %select_n3A_912 = arith.select %lt3A_908, %broadcast_in_dim3A_911, %select_n3A_901 : vector<128x128xi1>, vector<128x128xi32>
    %slice3A_913 = vector.extract_strided_slice %dot_general3A_29 {offsets = [128, 768], sizes = [128, 128], strides = [1, 1]} : vector<256x1024xf32> to vector<128x128xf32>
    %sub3A_914 = vector.broadcast %slice3A_12 : vector<128x1xf32> to vector<128x128xf32>
    %sub3A_915 = arith.subf %sub3A_914, %slice3A_913 : vector<128x128xf32>
    %slice3A_916 = vector.extract_strided_slice %get3A_11 {offsets = [0, 1792], sizes = [1, 128], strides = [1, 1]} : vector<1x8192xf32> to vector<1x128xf32>
    %add3A_917 = vector.broadcast %slice3A_916 : vector<1x128xf32> to vector<128x128xf32>
    %add3A_918 = arith.addf %sub3A_915, %add3A_917 : vector<128x128xf32>
    %lt3A_919 = arith.cmpf olt, %add3A_918, %select_n3A_909 : vector<128x128xf32>
    %select_n3A_920 = arith.select %lt3A_919, %add3A_918, %select_n3A_909 : vector<128x128xi1>, vector<128x128xf32>
    %jit3A_921 = arith.constant 14 : i32
    %broadcast_in_dim3A_922 = vector.broadcast %jit3A_921 : i32 to vector<128x128xi32>
    %select_n3A_923 = arith.select %lt3A_919, %broadcast_in_dim3A_922, %select_n3A_912 : vector<128x128xi1>, vector<128x128xi32>
    %slice3A_924 = vector.extract_strided_slice %dot_general3A_29 {offsets = [128, 896], sizes = [128, 128], strides = [1, 1]} : vector<256x1024xf32> to vector<128x128xf32>
    %sub3A_925 = vector.broadcast %slice3A_12 : vector<128x1xf32> to vector<128x128xf32>
    %sub3A_926 = arith.subf %sub3A_925, %slice3A_924 : vector<128x128xf32>
    %slice3A_927 = vector.extract_strided_slice %get3A_11 {offsets = [0, 1920], sizes = [1, 128], strides = [1, 1]} : vector<1x8192xf32> to vector<1x128xf32>
    %add3A_928 = vector.broadcast %slice3A_927 : vector<1x128xf32> to vector<128x128xf32>
    %add3A_929 = arith.addf %sub3A_926, %add3A_928 : vector<128x128xf32>
    %lt3A_930 = arith.cmpf olt, %add3A_929, %select_n3A_920 : vector<128x128xf32>
    %select_n3A_931 = arith.select %lt3A_930, %add3A_929, %select_n3A_920 : vector<128x128xi1>, vector<128x128xf32>
    %jit3A_932 = arith.constant 15 : i32
    %broadcast_in_dim3A_933 = vector.broadcast %jit3A_932 : i32 to vector<128x128xi32>
    %select_n3A_934 = arith.select %lt3A_930, %broadcast_in_dim3A_933, %select_n3A_923 : vector<128x128xi1>, vector<128x128xi32>
    %slice3A_935 = vector.extract_strided_slice %dot_general3A_117 {offsets = [128, 0], sizes = [128, 128], strides = [1, 1]} : vector<256x1024xf32> to vector<128x128xf32>
    %sub3A_936 = vector.broadcast %slice3A_12 : vector<128x1xf32> to vector<128x128xf32>
    %sub3A_937 = arith.subf %sub3A_936, %slice3A_935 : vector<128x128xf32>
    %slice3A_938 = vector.extract_strided_slice %get3A_11 {offsets = [0, 2048], sizes = [1, 128], strides = [1, 1]} : vector<1x8192xf32> to vector<1x128xf32>
    %add3A_939 = vector.broadcast %slice3A_938 : vector<1x128xf32> to vector<128x128xf32>
    %add3A_940 = arith.addf %sub3A_937, %add3A_939 : vector<128x128xf32>
    %lt3A_941 = arith.cmpf olt, %add3A_940, %select_n3A_931 : vector<128x128xf32>
    %select_n3A_942 = arith.select %lt3A_941, %add3A_940, %select_n3A_931 : vector<128x128xi1>, vector<128x128xf32>
    %jit3A_943 = arith.constant 16 : i32
    %broadcast_in_dim3A_944 = vector.broadcast %jit3A_943 : i32 to vector<128x128xi32>
    %select_n3A_945 = arith.select %lt3A_941, %broadcast_in_dim3A_944, %select_n3A_934 : vector<128x128xi1>, vector<128x128xi32>
    %slice3A_946 = vector.extract_strided_slice %dot_general3A_117 {offsets = [128, 128], sizes = [128, 128], strides = [1, 1]} : vector<256x1024xf32> to vector<128x128xf32>
    %sub3A_947 = vector.broadcast %slice3A_12 : vector<128x1xf32> to vector<128x128xf32>
    %sub3A_948 = arith.subf %sub3A_947, %slice3A_946 : vector<128x128xf32>
    %slice3A_949 = vector.extract_strided_slice %get3A_11 {offsets = [0, 2176], sizes = [1, 128], strides = [1, 1]} : vector<1x8192xf32> to vector<1x128xf32>
    %add3A_950 = vector.broadcast %slice3A_949 : vector<1x128xf32> to vector<128x128xf32>
    %add3A_951 = arith.addf %sub3A_948, %add3A_950 : vector<128x128xf32>
    %lt3A_952 = arith.cmpf olt, %add3A_951, %select_n3A_942 : vector<128x128xf32>
    %select_n3A_953 = arith.select %lt3A_952, %add3A_951, %select_n3A_942 : vector<128x128xi1>, vector<128x128xf32>
    %jit3A_954 = arith.constant 17 : i32
    %broadcast_in_dim3A_955 = vector.broadcast %jit3A_954 : i32 to vector<128x128xi32>
    %select_n3A_956 = arith.select %lt3A_952, %broadcast_in_dim3A_955, %select_n3A_945 : vector<128x128xi1>, vector<128x128xi32>
    %slice3A_957 = vector.extract_strided_slice %dot_general3A_117 {offsets = [128, 256], sizes = [128, 128], strides = [1, 1]} : vector<256x1024xf32> to vector<128x128xf32>
    %sub3A_958 = vector.broadcast %slice3A_12 : vector<128x1xf32> to vector<128x128xf32>
    %sub3A_959 = arith.subf %sub3A_958, %slice3A_957 : vector<128x128xf32>
    %slice3A_960 = vector.extract_strided_slice %get3A_11 {offsets = [0, 2304], sizes = [1, 128], strides = [1, 1]} : vector<1x8192xf32> to vector<1x128xf32>
    %add3A_961 = vector.broadcast %slice3A_960 : vector<1x128xf32> to vector<128x128xf32>
    %add3A_962 = arith.addf %sub3A_959, %add3A_961 : vector<128x128xf32>
    %lt3A_963 = arith.cmpf olt, %add3A_962, %select_n3A_953 : vector<128x128xf32>
    %select_n3A_964 = arith.select %lt3A_963, %add3A_962, %select_n3A_953 : vector<128x128xi1>, vector<128x128xf32>
    %jit3A_965 = arith.constant 18 : i32
    %broadcast_in_dim3A_966 = vector.broadcast %jit3A_965 : i32 to vector<128x128xi32>
    %select_n3A_967 = arith.select %lt3A_963, %broadcast_in_dim3A_966, %select_n3A_956 : vector<128x128xi1>, vector<128x128xi32>
    %slice3A_968 = vector.extract_strided_slice %dot_general3A_117 {offsets = [128, 384], sizes = [128, 128], strides = [1, 1]} : vector<256x1024xf32> to vector<128x128xf32>
    %sub3A_969 = vector.broadcast %slice3A_12 : vector<128x1xf32> to vector<128x128xf32>
    %sub3A_970 = arith.subf %sub3A_969, %slice3A_968 : vector<128x128xf32>
    %slice3A_971 = vector.extract_strided_slice %get3A_11 {offsets = [0, 2432], sizes = [1, 128], strides = [1, 1]} : vector<1x8192xf32> to vector<1x128xf32>
    %add3A_972 = vector.broadcast %slice3A_971 : vector<1x128xf32> to vector<128x128xf32>
    %add3A_973 = arith.addf %sub3A_970, %add3A_972 : vector<128x128xf32>
    %lt3A_974 = arith.cmpf olt, %add3A_973, %select_n3A_964 : vector<128x128xf32>
    %select_n3A_975 = arith.select %lt3A_974, %add3A_973, %select_n3A_964 : vector<128x128xi1>, vector<128x128xf32>
    %jit3A_976 = arith.constant 19 : i32
    %broadcast_in_dim3A_977 = vector.broadcast %jit3A_976 : i32 to vector<128x128xi32>
    %select_n3A_978 = arith.select %lt3A_974, %broadcast_in_dim3A_977, %select_n3A_967 : vector<128x128xi1>, vector<128x128xi32>
    %slice3A_979 = vector.extract_strided_slice %dot_general3A_117 {offsets = [128, 512], sizes = [128, 128], strides = [1, 1]} : vector<256x1024xf32> to vector<128x128xf32>
    %sub3A_980 = vector.broadcast %slice3A_12 : vector<128x1xf32> to vector<128x128xf32>
    %sub3A_981 = arith.subf %sub3A_980, %slice3A_979 : vector<128x128xf32>
    %slice3A_982 = vector.extract_strided_slice %get3A_11 {offsets = [0, 2560], sizes = [1, 128], strides = [1, 1]} : vector<1x8192xf32> to vector<1x128xf32>
    %add3A_983 = vector.broadcast %slice3A_982 : vector<1x128xf32> to vector<128x128xf32>
    %add3A_984 = arith.addf %sub3A_981, %add3A_983 : vector<128x128xf32>
    %lt3A_985 = arith.cmpf olt, %add3A_984, %select_n3A_975 : vector<128x128xf32>
    %select_n3A_986 = arith.select %lt3A_985, %add3A_984, %select_n3A_975 : vector<128x128xi1>, vector<128x128xf32>
    %jit3A_987 = arith.constant 20 : i32
    %broadcast_in_dim3A_988 = vector.broadcast %jit3A_987 : i32 to vector<128x128xi32>
    %select_n3A_989 = arith.select %lt3A_985, %broadcast_in_dim3A_988, %select_n3A_978 : vector<128x128xi1>, vector<128x128xi32>
    %slice3A_990 = vector.extract_strided_slice %dot_general3A_117 {offsets = [128, 640], sizes = [128, 128], strides = [1, 1]} : vector<256x1024xf32> to vector<128x128xf32>
    %sub3A_991 = vector.broadcast %slice3A_12 : vector<128x1xf32> to vector<128x128xf32>
    %sub3A_992 = arith.subf %sub3A_991, %slice3A_990 : vector<128x128xf32>
    %slice3A_993 = vector.extract_strided_slice %get3A_11 {offsets = [0, 2688], sizes = [1, 128], strides = [1, 1]} : vector<1x8192xf32> to vector<1x128xf32>
    %add3A_994 = vector.broadcast %slice3A_993 : vector<1x128xf32> to vector<128x128xf32>
    %add3A_995 = arith.addf %sub3A_992, %add3A_994 : vector<128x128xf32>
    %lt3A_996 = arith.cmpf olt, %add3A_995, %select_n3A_986 : vector<128x128xf32>
    %select_n3A_997 = arith.select %lt3A_996, %add3A_995, %select_n3A_986 : vector<128x128xi1>, vector<128x128xf32>
    %jit3A_998 = arith.constant 21 : i32
    %broadcast_in_dim3A_999 = vector.broadcast %jit3A_998 : i32 to vector<128x128xi32>
    %select_n3A_1000 = arith.select %lt3A_996, %broadcast_in_dim3A_999, %select_n3A_989 : vector<128x128xi1>, vector<128x128xi32>
    %slice3A_1001 = vector.extract_strided_slice %dot_general3A_117 {offsets = [128, 768], sizes = [128, 128], strides = [1, 1]} : vector<256x1024xf32> to vector<128x128xf32>
    %sub3A_1002 = vector.broadcast %slice3A_12 : vector<128x1xf32> to vector<128x128xf32>
    %sub3A_1003 = arith.subf %sub3A_1002, %slice3A_1001 : vector<128x128xf32>
    %slice3A_1004 = vector.extract_strided_slice %get3A_11 {offsets = [0, 2816], sizes = [1, 128], strides = [1, 1]} : vector<1x8192xf32> to vector<1x128xf32>
    %add3A_1005 = vector.broadcast %slice3A_1004 : vector<1x128xf32> to vector<128x128xf32>
    %add3A_1006 = arith.addf %sub3A_1003, %add3A_1005 : vector<128x128xf32>
    %lt3A_1007 = arith.cmpf olt, %add3A_1006, %select_n3A_997 : vector<128x128xf32>
    %select_n3A_1008 = arith.select %lt3A_1007, %add3A_1006, %select_n3A_997 : vector<128x128xi1>, vector<128x128xf32>
    %jit3A_1009 = arith.constant 22 : i32
    %broadcast_in_dim3A_1010 = vector.broadcast %jit3A_1009 : i32 to vector<128x128xi32>
    %select_n3A_1011 = arith.select %lt3A_1007, %broadcast_in_dim3A_1010, %select_n3A_1000 : vector<128x128xi1>, vector<128x128xi32>
    %slice3A_1012 = vector.extract_strided_slice %dot_general3A_117 {offsets = [128, 896], sizes = [128, 128], strides = [1, 1]} : vector<256x1024xf32> to vector<128x128xf32>
    %sub3A_1013 = vector.broadcast %slice3A_12 : vector<128x1xf32> to vector<128x128xf32>
    %sub3A_1014 = arith.subf %sub3A_1013, %slice3A_1012 : vector<128x128xf32>
    %slice3A_1015 = vector.extract_strided_slice %get3A_11 {offsets = [0, 2944], sizes = [1, 128], strides = [1, 1]} : vector<1x8192xf32> to vector<1x128xf32>
    %add3A_1016 = vector.broadcast %slice3A_1015 : vector<1x128xf32> to vector<128x128xf32>
    %add3A_1017 = arith.addf %sub3A_1014, %add3A_1016 : vector<128x128xf32>
    %lt3A_1018 = arith.cmpf olt, %add3A_1017, %select_n3A_1008 : vector<128x128xf32>
    %select_n3A_1019 = arith.select %lt3A_1018, %add3A_1017, %select_n3A_1008 : vector<128x128xi1>, vector<128x128xf32>
    %jit3A_1020 = arith.constant 23 : i32
    %broadcast_in_dim3A_1021 = vector.broadcast %jit3A_1020 : i32 to vector<128x128xi32>
    %select_n3A_1022 = arith.select %lt3A_1018, %broadcast_in_dim3A_1021, %select_n3A_1011 : vector<128x128xi1>, vector<128x128xi32>
    %slice3A_1023 = vector.extract_strided_slice %dot_general3A_210 {offsets = [128, 0], sizes = [128, 128], strides = [1, 1]} : vector<256x1024xf32> to vector<128x128xf32>
    %sub3A_1024 = vector.broadcast %slice3A_12 : vector<128x1xf32> to vector<128x128xf32>
    %sub3A_1025 = arith.subf %sub3A_1024, %slice3A_1023 : vector<128x128xf32>
    %slice3A_1026 = vector.extract_strided_slice %get3A_11 {offsets = [0, 3072], sizes = [1, 128], strides = [1, 1]} : vector<1x8192xf32> to vector<1x128xf32>
    %add3A_1027 = vector.broadcast %slice3A_1026 : vector<1x128xf32> to vector<128x128xf32>
    %add3A_1028 = arith.addf %sub3A_1025, %add3A_1027 : vector<128x128xf32>
    %lt3A_1029 = arith.cmpf olt, %add3A_1028, %select_n3A_1019 : vector<128x128xf32>
    %select_n3A_1030 = arith.select %lt3A_1029, %add3A_1028, %select_n3A_1019 : vector<128x128xi1>, vector<128x128xf32>
    %jit3A_1031 = arith.constant 24 : i32
    %broadcast_in_dim3A_1032 = vector.broadcast %jit3A_1031 : i32 to vector<128x128xi32>
    %select_n3A_1033 = arith.select %lt3A_1029, %broadcast_in_dim3A_1032, %select_n3A_1022 : vector<128x128xi1>, vector<128x128xi32>
    %slice3A_1034 = vector.extract_strided_slice %dot_general3A_210 {offsets = [128, 128], sizes = [128, 128], strides = [1, 1]} : vector<256x1024xf32> to vector<128x128xf32>
    %sub3A_1035 = vector.broadcast %slice3A_12 : vector<128x1xf32> to vector<128x128xf32>
    %sub3A_1036 = arith.subf %sub3A_1035, %slice3A_1034 : vector<128x128xf32>
    %slice3A_1037 = vector.extract_strided_slice %get3A_11 {offsets = [0, 3200], sizes = [1, 128], strides = [1, 1]} : vector<1x8192xf32> to vector<1x128xf32>
    %add3A_1038 = vector.broadcast %slice3A_1037 : vector<1x128xf32> to vector<128x128xf32>
    %add3A_1039 = arith.addf %sub3A_1036, %add3A_1038 : vector<128x128xf32>
    %lt3A_1040 = arith.cmpf olt, %add3A_1039, %select_n3A_1030 : vector<128x128xf32>
    %select_n3A_1041 = arith.select %lt3A_1040, %add3A_1039, %select_n3A_1030 : vector<128x128xi1>, vector<128x128xf32>
    %jit3A_1042 = arith.constant 25 : i32
    %broadcast_in_dim3A_1043 = vector.broadcast %jit3A_1042 : i32 to vector<128x128xi32>
    %select_n3A_1044 = arith.select %lt3A_1040, %broadcast_in_dim3A_1043, %select_n3A_1033 : vector<128x128xi1>, vector<128x128xi32>
    %slice3A_1045 = vector.extract_strided_slice %dot_general3A_210 {offsets = [128, 256], sizes = [128, 128], strides = [1, 1]} : vector<256x1024xf32> to vector<128x128xf32>
    %sub3A_1046 = vector.broadcast %slice3A_12 : vector<128x1xf32> to vector<128x128xf32>
    %sub3A_1047 = arith.subf %sub3A_1046, %slice3A_1045 : vector<128x128xf32>
    %slice3A_1048 = vector.extract_strided_slice %get3A_11 {offsets = [0, 3328], sizes = [1, 128], strides = [1, 1]} : vector<1x8192xf32> to vector<1x128xf32>
    %add3A_1049 = vector.broadcast %slice3A_1048 : vector<1x128xf32> to vector<128x128xf32>
    %add3A_1050 = arith.addf %sub3A_1047, %add3A_1049 : vector<128x128xf32>
    %lt3A_1051 = arith.cmpf olt, %add3A_1050, %select_n3A_1041 : vector<128x128xf32>
    %select_n3A_1052 = arith.select %lt3A_1051, %add3A_1050, %select_n3A_1041 : vector<128x128xi1>, vector<128x128xf32>
    %jit3A_1053 = arith.constant 26 : i32
    %broadcast_in_dim3A_1054 = vector.broadcast %jit3A_1053 : i32 to vector<128x128xi32>
    %select_n3A_1055 = arith.select %lt3A_1051, %broadcast_in_dim3A_1054, %select_n3A_1044 : vector<128x128xi1>, vector<128x128xi32>
    %slice3A_1056 = vector.extract_strided_slice %dot_general3A_210 {offsets = [128, 384], sizes = [128, 128], strides = [1, 1]} : vector<256x1024xf32> to vector<128x128xf32>
    %sub3A_1057 = vector.broadcast %slice3A_12 : vector<128x1xf32> to vector<128x128xf32>
    %sub3A_1058 = arith.subf %sub3A_1057, %slice3A_1056 : vector<128x128xf32>
    %slice3A_1059 = vector.extract_strided_slice %get3A_11 {offsets = [0, 3456], sizes = [1, 128], strides = [1, 1]} : vector<1x8192xf32> to vector<1x128xf32>
    %add3A_1060 = vector.broadcast %slice3A_1059 : vector<1x128xf32> to vector<128x128xf32>
    %add3A_1061 = arith.addf %sub3A_1058, %add3A_1060 : vector<128x128xf32>
    %lt3A_1062 = arith.cmpf olt, %add3A_1061, %select_n3A_1052 : vector<128x128xf32>
    %select_n3A_1063 = arith.select %lt3A_1062, %add3A_1061, %select_n3A_1052 : vector<128x128xi1>, vector<128x128xf32>
    %jit3A_1064 = arith.constant 27 : i32
    %broadcast_in_dim3A_1065 = vector.broadcast %jit3A_1064 : i32 to vector<128x128xi32>
    %select_n3A_1066 = arith.select %lt3A_1062, %broadcast_in_dim3A_1065, %select_n3A_1055 : vector<128x128xi1>, vector<128x128xi32>
    %slice3A_1067 = vector.extract_strided_slice %dot_general3A_210 {offsets = [128, 512], sizes = [128, 128], strides = [1, 1]} : vector<256x1024xf32> to vector<128x128xf32>
    %sub3A_1068 = vector.broadcast %slice3A_12 : vector<128x1xf32> to vector<128x128xf32>
    %sub3A_1069 = arith.subf %sub3A_1068, %slice3A_1067 : vector<128x128xf32>
    %slice3A_1070 = vector.extract_strided_slice %get3A_11 {offsets = [0, 3584], sizes = [1, 128], strides = [1, 1]} : vector<1x8192xf32> to vector<1x128xf32>
    %add3A_1071 = vector.broadcast %slice3A_1070 : vector<1x128xf32> to vector<128x128xf32>
    %add3A_1072 = arith.addf %sub3A_1069, %add3A_1071 : vector<128x128xf32>
    %lt3A_1073 = arith.cmpf olt, %add3A_1072, %select_n3A_1063 : vector<128x128xf32>
    %select_n3A_1074 = arith.select %lt3A_1073, %add3A_1072, %select_n3A_1063 : vector<128x128xi1>, vector<128x128xf32>
    %jit3A_1075 = arith.constant 28 : i32
    %broadcast_in_dim3A_1076 = vector.broadcast %jit3A_1075 : i32 to vector<128x128xi32>
    %select_n3A_1077 = arith.select %lt3A_1073, %broadcast_in_dim3A_1076, %select_n3A_1066 : vector<128x128xi1>, vector<128x128xi32>
    %slice3A_1078 = vector.extract_strided_slice %dot_general3A_210 {offsets = [128, 640], sizes = [128, 128], strides = [1, 1]} : vector<256x1024xf32> to vector<128x128xf32>
    %sub3A_1079 = vector.broadcast %slice3A_12 : vector<128x1xf32> to vector<128x128xf32>
    %sub3A_1080 = arith.subf %sub3A_1079, %slice3A_1078 : vector<128x128xf32>
    %slice3A_1081 = vector.extract_strided_slice %get3A_11 {offsets = [0, 3712], sizes = [1, 128], strides = [1, 1]} : vector<1x8192xf32> to vector<1x128xf32>
    %add3A_1082 = vector.broadcast %slice3A_1081 : vector<1x128xf32> to vector<128x128xf32>
    %add3A_1083 = arith.addf %sub3A_1080, %add3A_1082 : vector<128x128xf32>
    %lt3A_1084 = arith.cmpf olt, %add3A_1083, %select_n3A_1074 : vector<128x128xf32>
    %select_n3A_1085 = arith.select %lt3A_1084, %add3A_1083, %select_n3A_1074 : vector<128x128xi1>, vector<128x128xf32>
    %jit3A_1086 = arith.constant 29 : i32
    %broadcast_in_dim3A_1087 = vector.broadcast %jit3A_1086 : i32 to vector<128x128xi32>
    %select_n3A_1088 = arith.select %lt3A_1084, %broadcast_in_dim3A_1087, %select_n3A_1077 : vector<128x128xi1>, vector<128x128xi32>
    %slice3A_1089 = vector.extract_strided_slice %dot_general3A_210 {offsets = [128, 768], sizes = [128, 128], strides = [1, 1]} : vector<256x1024xf32> to vector<128x128xf32>
    %sub3A_1090 = vector.broadcast %slice3A_12 : vector<128x1xf32> to vector<128x128xf32>
    %sub3A_1091 = arith.subf %sub3A_1090, %slice3A_1089 : vector<128x128xf32>
    %slice3A_1092 = vector.extract_strided_slice %get3A_11 {offsets = [0, 3840], sizes = [1, 128], strides = [1, 1]} : vector<1x8192xf32> to vector<1x128xf32>
    %add3A_1093 = vector.broadcast %slice3A_1092 : vector<1x128xf32> to vector<128x128xf32>
    %add3A_1094 = arith.addf %sub3A_1091, %add3A_1093 : vector<128x128xf32>
    %lt3A_1095 = arith.cmpf olt, %add3A_1094, %select_n3A_1085 : vector<128x128xf32>
    %select_n3A_1096 = arith.select %lt3A_1095, %add3A_1094, %select_n3A_1085 : vector<128x128xi1>, vector<128x128xf32>
    %jit3A_1097 = arith.constant 30 : i32
    %broadcast_in_dim3A_1098 = vector.broadcast %jit3A_1097 : i32 to vector<128x128xi32>
    %select_n3A_1099 = arith.select %lt3A_1095, %broadcast_in_dim3A_1098, %select_n3A_1088 : vector<128x128xi1>, vector<128x128xi32>
    %slice3A_1100 = vector.extract_strided_slice %dot_general3A_210 {offsets = [128, 896], sizes = [128, 128], strides = [1, 1]} : vector<256x1024xf32> to vector<128x128xf32>
    %sub3A_1101 = vector.broadcast %slice3A_12 : vector<128x1xf32> to vector<128x128xf32>
    %sub3A_1102 = arith.subf %sub3A_1101, %slice3A_1100 : vector<128x128xf32>
    %slice3A_1103 = vector.extract_strided_slice %get3A_11 {offsets = [0, 3968], sizes = [1, 128], strides = [1, 1]} : vector<1x8192xf32> to vector<1x128xf32>
    %add3A_1104 = vector.broadcast %slice3A_1103 : vector<1x128xf32> to vector<128x128xf32>
    %add3A_1105 = arith.addf %sub3A_1102, %add3A_1104 : vector<128x128xf32>
    %lt3A_1106 = arith.cmpf olt, %add3A_1105, %select_n3A_1096 : vector<128x128xf32>
    %select_n3A_1107 = arith.select %lt3A_1106, %add3A_1105, %select_n3A_1096 : vector<128x128xi1>, vector<128x128xf32>
    %jit3A_1108 = arith.constant 31 : i32
    %broadcast_in_dim3A_1109 = vector.broadcast %jit3A_1108 : i32 to vector<128x128xi32>
    %select_n3A_1110 = arith.select %lt3A_1106, %broadcast_in_dim3A_1109, %select_n3A_1099 : vector<128x128xi1>, vector<128x128xi32>
    %slice3A_1111 = vector.extract_strided_slice %dot_general3A_303 {offsets = [128, 0], sizes = [128, 128], strides = [1, 1]} : vector<256x1024xf32> to vector<128x128xf32>
    %sub3A_1112 = vector.broadcast %slice3A_12 : vector<128x1xf32> to vector<128x128xf32>
    %sub3A_1113 = arith.subf %sub3A_1112, %slice3A_1111 : vector<128x128xf32>
    %slice3A_1114 = vector.extract_strided_slice %get3A_11 {offsets = [0, 4096], sizes = [1, 128], strides = [1, 1]} : vector<1x8192xf32> to vector<1x128xf32>
    %add3A_1115 = vector.broadcast %slice3A_1114 : vector<1x128xf32> to vector<128x128xf32>
    %add3A_1116 = arith.addf %sub3A_1113, %add3A_1115 : vector<128x128xf32>
    %lt3A_1117 = arith.cmpf olt, %add3A_1116, %select_n3A_1107 : vector<128x128xf32>
    %select_n3A_1118 = arith.select %lt3A_1117, %add3A_1116, %select_n3A_1107 : vector<128x128xi1>, vector<128x128xf32>
    %jit3A_1119 = arith.constant 32 : i32
    %broadcast_in_dim3A_1120 = vector.broadcast %jit3A_1119 : i32 to vector<128x128xi32>
    %select_n3A_1121 = arith.select %lt3A_1117, %broadcast_in_dim3A_1120, %select_n3A_1110 : vector<128x128xi1>, vector<128x128xi32>
    %slice3A_1122 = vector.extract_strided_slice %dot_general3A_303 {offsets = [128, 128], sizes = [128, 128], strides = [1, 1]} : vector<256x1024xf32> to vector<128x128xf32>
    %sub3A_1123 = vector.broadcast %slice3A_12 : vector<128x1xf32> to vector<128x128xf32>
    %sub3A_1124 = arith.subf %sub3A_1123, %slice3A_1122 : vector<128x128xf32>
    %slice3A_1125 = vector.extract_strided_slice %get3A_11 {offsets = [0, 4224], sizes = [1, 128], strides = [1, 1]} : vector<1x8192xf32> to vector<1x128xf32>
    %add3A_1126 = vector.broadcast %slice3A_1125 : vector<1x128xf32> to vector<128x128xf32>
    %add3A_1127 = arith.addf %sub3A_1124, %add3A_1126 : vector<128x128xf32>
    %lt3A_1128 = arith.cmpf olt, %add3A_1127, %select_n3A_1118 : vector<128x128xf32>
    %select_n3A_1129 = arith.select %lt3A_1128, %add3A_1127, %select_n3A_1118 : vector<128x128xi1>, vector<128x128xf32>
    %jit3A_1130 = arith.constant 33 : i32
    %broadcast_in_dim3A_1131 = vector.broadcast %jit3A_1130 : i32 to vector<128x128xi32>
    %select_n3A_1132 = arith.select %lt3A_1128, %broadcast_in_dim3A_1131, %select_n3A_1121 : vector<128x128xi1>, vector<128x128xi32>
    %slice3A_1133 = vector.extract_strided_slice %dot_general3A_303 {offsets = [128, 256], sizes = [128, 128], strides = [1, 1]} : vector<256x1024xf32> to vector<128x128xf32>
    %sub3A_1134 = vector.broadcast %slice3A_12 : vector<128x1xf32> to vector<128x128xf32>
    %sub3A_1135 = arith.subf %sub3A_1134, %slice3A_1133 : vector<128x128xf32>
    %slice3A_1136 = vector.extract_strided_slice %get3A_11 {offsets = [0, 4352], sizes = [1, 128], strides = [1, 1]} : vector<1x8192xf32> to vector<1x128xf32>
    %add3A_1137 = vector.broadcast %slice3A_1136 : vector<1x128xf32> to vector<128x128xf32>
    %add3A_1138 = arith.addf %sub3A_1135, %add3A_1137 : vector<128x128xf32>
    %lt3A_1139 = arith.cmpf olt, %add3A_1138, %select_n3A_1129 : vector<128x128xf32>
    %select_n3A_1140 = arith.select %lt3A_1139, %add3A_1138, %select_n3A_1129 : vector<128x128xi1>, vector<128x128xf32>
    %jit3A_1141 = arith.constant 34 : i32
    %broadcast_in_dim3A_1142 = vector.broadcast %jit3A_1141 : i32 to vector<128x128xi32>
    %select_n3A_1143 = arith.select %lt3A_1139, %broadcast_in_dim3A_1142, %select_n3A_1132 : vector<128x128xi1>, vector<128x128xi32>
    %slice3A_1144 = vector.extract_strided_slice %dot_general3A_303 {offsets = [128, 384], sizes = [128, 128], strides = [1, 1]} : vector<256x1024xf32> to vector<128x128xf32>
    %sub3A_1145 = vector.broadcast %slice3A_12 : vector<128x1xf32> to vector<128x128xf32>
    %sub3A_1146 = arith.subf %sub3A_1145, %slice3A_1144 : vector<128x128xf32>
    %slice3A_1147 = vector.extract_strided_slice %get3A_11 {offsets = [0, 4480], sizes = [1, 128], strides = [1, 1]} : vector<1x8192xf32> to vector<1x128xf32>
    %add3A_1148 = vector.broadcast %slice3A_1147 : vector<1x128xf32> to vector<128x128xf32>
    %add3A_1149 = arith.addf %sub3A_1146, %add3A_1148 : vector<128x128xf32>
    %lt3A_1150 = arith.cmpf olt, %add3A_1149, %select_n3A_1140 : vector<128x128xf32>
    %select_n3A_1151 = arith.select %lt3A_1150, %add3A_1149, %select_n3A_1140 : vector<128x128xi1>, vector<128x128xf32>
    %jit3A_1152 = arith.constant 35 : i32
    %broadcast_in_dim3A_1153 = vector.broadcast %jit3A_1152 : i32 to vector<128x128xi32>
    %select_n3A_1154 = arith.select %lt3A_1150, %broadcast_in_dim3A_1153, %select_n3A_1143 : vector<128x128xi1>, vector<128x128xi32>
    %slice3A_1155 = vector.extract_strided_slice %dot_general3A_303 {offsets = [128, 512], sizes = [128, 128], strides = [1, 1]} : vector<256x1024xf32> to vector<128x128xf32>
    %sub3A_1156 = vector.broadcast %slice3A_12 : vector<128x1xf32> to vector<128x128xf32>
    %sub3A_1157 = arith.subf %sub3A_1156, %slice3A_1155 : vector<128x128xf32>
    %slice3A_1158 = vector.extract_strided_slice %get3A_11 {offsets = [0, 4608], sizes = [1, 128], strides = [1, 1]} : vector<1x8192xf32> to vector<1x128xf32>
    %add3A_1159 = vector.broadcast %slice3A_1158 : vector<1x128xf32> to vector<128x128xf32>
    %add3A_1160 = arith.addf %sub3A_1157, %add3A_1159 : vector<128x128xf32>
    %lt3A_1161 = arith.cmpf olt, %add3A_1160, %select_n3A_1151 : vector<128x128xf32>
    %select_n3A_1162 = arith.select %lt3A_1161, %add3A_1160, %select_n3A_1151 : vector<128x128xi1>, vector<128x128xf32>
    %jit3A_1163 = arith.constant 36 : i32
    %broadcast_in_dim3A_1164 = vector.broadcast %jit3A_1163 : i32 to vector<128x128xi32>
    %select_n3A_1165 = arith.select %lt3A_1161, %broadcast_in_dim3A_1164, %select_n3A_1154 : vector<128x128xi1>, vector<128x128xi32>
    %slice3A_1166 = vector.extract_strided_slice %dot_general3A_303 {offsets = [128, 640], sizes = [128, 128], strides = [1, 1]} : vector<256x1024xf32> to vector<128x128xf32>
    %sub3A_1167 = vector.broadcast %slice3A_12 : vector<128x1xf32> to vector<128x128xf32>
    %sub3A_1168 = arith.subf %sub3A_1167, %slice3A_1166 : vector<128x128xf32>
    %slice3A_1169 = vector.extract_strided_slice %get3A_11 {offsets = [0, 4736], sizes = [1, 128], strides = [1, 1]} : vector<1x8192xf32> to vector<1x128xf32>
    %add3A_1170 = vector.broadcast %slice3A_1169 : vector<1x128xf32> to vector<128x128xf32>
    %add3A_1171 = arith.addf %sub3A_1168, %add3A_1170 : vector<128x128xf32>
    %lt3A_1172 = arith.cmpf olt, %add3A_1171, %select_n3A_1162 : vector<128x128xf32>
    %select_n3A_1173 = arith.select %lt3A_1172, %add3A_1171, %select_n3A_1162 : vector<128x128xi1>, vector<128x128xf32>
    %jit3A_1174 = arith.constant 37 : i32
    %broadcast_in_dim3A_1175 = vector.broadcast %jit3A_1174 : i32 to vector<128x128xi32>
    %select_n3A_1176 = arith.select %lt3A_1172, %broadcast_in_dim3A_1175, %select_n3A_1165 : vector<128x128xi1>, vector<128x128xi32>
    %slice3A_1177 = vector.extract_strided_slice %dot_general3A_303 {offsets = [128, 768], sizes = [128, 128], strides = [1, 1]} : vector<256x1024xf32> to vector<128x128xf32>
    %sub3A_1178 = vector.broadcast %slice3A_12 : vector<128x1xf32> to vector<128x128xf32>
    %sub3A_1179 = arith.subf %sub3A_1178, %slice3A_1177 : vector<128x128xf32>
    %slice3A_1180 = vector.extract_strided_slice %get3A_11 {offsets = [0, 4864], sizes = [1, 128], strides = [1, 1]} : vector<1x8192xf32> to vector<1x128xf32>
    %add3A_1181 = vector.broadcast %slice3A_1180 : vector<1x128xf32> to vector<128x128xf32>
    %add3A_1182 = arith.addf %sub3A_1179, %add3A_1181 : vector<128x128xf32>
    %lt3A_1183 = arith.cmpf olt, %add3A_1182, %select_n3A_1173 : vector<128x128xf32>
    %select_n3A_1184 = arith.select %lt3A_1183, %add3A_1182, %select_n3A_1173 : vector<128x128xi1>, vector<128x128xf32>
    %jit3A_1185 = arith.constant 38 : i32
    %broadcast_in_dim3A_1186 = vector.broadcast %jit3A_1185 : i32 to vector<128x128xi32>
    %select_n3A_1187 = arith.select %lt3A_1183, %broadcast_in_dim3A_1186, %select_n3A_1176 : vector<128x128xi1>, vector<128x128xi32>
    %slice3A_1188 = vector.extract_strided_slice %dot_general3A_303 {offsets = [128, 896], sizes = [128, 128], strides = [1, 1]} : vector<256x1024xf32> to vector<128x128xf32>
    %sub3A_1189 = vector.broadcast %slice3A_12 : vector<128x1xf32> to vector<128x128xf32>
    %sub3A_1190 = arith.subf %sub3A_1189, %slice3A_1188 : vector<128x128xf32>
    %slice3A_1191 = vector.extract_strided_slice %get3A_11 {offsets = [0, 4992], sizes = [1, 128], strides = [1, 1]} : vector<1x8192xf32> to vector<1x128xf32>
    %add3A_1192 = vector.broadcast %slice3A_1191 : vector<1x128xf32> to vector<128x128xf32>
    %add3A_1193 = arith.addf %sub3A_1190, %add3A_1192 : vector<128x128xf32>
    %lt3A_1194 = arith.cmpf olt, %add3A_1193, %select_n3A_1184 : vector<128x128xf32>
    %select_n3A_1195 = arith.select %lt3A_1194, %add3A_1193, %select_n3A_1184 : vector<128x128xi1>, vector<128x128xf32>
    %jit3A_1196 = arith.constant 39 : i32
    %broadcast_in_dim3A_1197 = vector.broadcast %jit3A_1196 : i32 to vector<128x128xi32>
    %select_n3A_1198 = arith.select %lt3A_1194, %broadcast_in_dim3A_1197, %select_n3A_1187 : vector<128x128xi1>, vector<128x128xi32>
    %slice3A_1199 = vector.extract_strided_slice %dot_general3A_396 {offsets = [128, 0], sizes = [128, 128], strides = [1, 1]} : vector<256x1024xf32> to vector<128x128xf32>
    %sub3A_1200 = vector.broadcast %slice3A_12 : vector<128x1xf32> to vector<128x128xf32>
    %sub3A_1201 = arith.subf %sub3A_1200, %slice3A_1199 : vector<128x128xf32>
    %slice3A_1202 = vector.extract_strided_slice %get3A_11 {offsets = [0, 5120], sizes = [1, 128], strides = [1, 1]} : vector<1x8192xf32> to vector<1x128xf32>
    %add3A_1203 = vector.broadcast %slice3A_1202 : vector<1x128xf32> to vector<128x128xf32>
    %add3A_1204 = arith.addf %sub3A_1201, %add3A_1203 : vector<128x128xf32>
    %lt3A_1205 = arith.cmpf olt, %add3A_1204, %select_n3A_1195 : vector<128x128xf32>
    %select_n3A_1206 = arith.select %lt3A_1205, %add3A_1204, %select_n3A_1195 : vector<128x128xi1>, vector<128x128xf32>
    %jit3A_1207 = arith.constant 40 : i32
    %broadcast_in_dim3A_1208 = vector.broadcast %jit3A_1207 : i32 to vector<128x128xi32>
    %select_n3A_1209 = arith.select %lt3A_1205, %broadcast_in_dim3A_1208, %select_n3A_1198 : vector<128x128xi1>, vector<128x128xi32>
    %slice3A_1210 = vector.extract_strided_slice %dot_general3A_396 {offsets = [128, 128], sizes = [128, 128], strides = [1, 1]} : vector<256x1024xf32> to vector<128x128xf32>
    %sub3A_1211 = vector.broadcast %slice3A_12 : vector<128x1xf32> to vector<128x128xf32>
    %sub3A_1212 = arith.subf %sub3A_1211, %slice3A_1210 : vector<128x128xf32>
    %slice3A_1213 = vector.extract_strided_slice %get3A_11 {offsets = [0, 5248], sizes = [1, 128], strides = [1, 1]} : vector<1x8192xf32> to vector<1x128xf32>
    %add3A_1214 = vector.broadcast %slice3A_1213 : vector<1x128xf32> to vector<128x128xf32>
    %add3A_1215 = arith.addf %sub3A_1212, %add3A_1214 : vector<128x128xf32>
    %lt3A_1216 = arith.cmpf olt, %add3A_1215, %select_n3A_1206 : vector<128x128xf32>
    %select_n3A_1217 = arith.select %lt3A_1216, %add3A_1215, %select_n3A_1206 : vector<128x128xi1>, vector<128x128xf32>
    %jit3A_1218 = arith.constant 41 : i32
    %broadcast_in_dim3A_1219 = vector.broadcast %jit3A_1218 : i32 to vector<128x128xi32>
    %select_n3A_1220 = arith.select %lt3A_1216, %broadcast_in_dim3A_1219, %select_n3A_1209 : vector<128x128xi1>, vector<128x128xi32>
    %slice3A_1221 = vector.extract_strided_slice %dot_general3A_396 {offsets = [128, 256], sizes = [128, 128], strides = [1, 1]} : vector<256x1024xf32> to vector<128x128xf32>
    %sub3A_1222 = vector.broadcast %slice3A_12 : vector<128x1xf32> to vector<128x128xf32>
    %sub3A_1223 = arith.subf %sub3A_1222, %slice3A_1221 : vector<128x128xf32>
    %slice3A_1224 = vector.extract_strided_slice %get3A_11 {offsets = [0, 5376], sizes = [1, 128], strides = [1, 1]} : vector<1x8192xf32> to vector<1x128xf32>
    %add3A_1225 = vector.broadcast %slice3A_1224 : vector<1x128xf32> to vector<128x128xf32>
    %add3A_1226 = arith.addf %sub3A_1223, %add3A_1225 : vector<128x128xf32>
    %lt3A_1227 = arith.cmpf olt, %add3A_1226, %select_n3A_1217 : vector<128x128xf32>
    %select_n3A_1228 = arith.select %lt3A_1227, %add3A_1226, %select_n3A_1217 : vector<128x128xi1>, vector<128x128xf32>
    %jit3A_1229 = arith.constant 42 : i32
    %broadcast_in_dim3A_1230 = vector.broadcast %jit3A_1229 : i32 to vector<128x128xi32>
    %select_n3A_1231 = arith.select %lt3A_1227, %broadcast_in_dim3A_1230, %select_n3A_1220 : vector<128x128xi1>, vector<128x128xi32>
    %slice3A_1232 = vector.extract_strided_slice %dot_general3A_396 {offsets = [128, 384], sizes = [128, 128], strides = [1, 1]} : vector<256x1024xf32> to vector<128x128xf32>
    %sub3A_1233 = vector.broadcast %slice3A_12 : vector<128x1xf32> to vector<128x128xf32>
    %sub3A_1234 = arith.subf %sub3A_1233, %slice3A_1232 : vector<128x128xf32>
    %slice3A_1235 = vector.extract_strided_slice %get3A_11 {offsets = [0, 5504], sizes = [1, 128], strides = [1, 1]} : vector<1x8192xf32> to vector<1x128xf32>
    %add3A_1236 = vector.broadcast %slice3A_1235 : vector<1x128xf32> to vector<128x128xf32>
    %add3A_1237 = arith.addf %sub3A_1234, %add3A_1236 : vector<128x128xf32>
    %lt3A_1238 = arith.cmpf olt, %add3A_1237, %select_n3A_1228 : vector<128x128xf32>
    %select_n3A_1239 = arith.select %lt3A_1238, %add3A_1237, %select_n3A_1228 : vector<128x128xi1>, vector<128x128xf32>
    %jit3A_1240 = arith.constant 43 : i32
    %broadcast_in_dim3A_1241 = vector.broadcast %jit3A_1240 : i32 to vector<128x128xi32>
    %select_n3A_1242 = arith.select %lt3A_1238, %broadcast_in_dim3A_1241, %select_n3A_1231 : vector<128x128xi1>, vector<128x128xi32>
    %slice3A_1243 = vector.extract_strided_slice %dot_general3A_396 {offsets = [128, 512], sizes = [128, 128], strides = [1, 1]} : vector<256x1024xf32> to vector<128x128xf32>
    %sub3A_1244 = vector.broadcast %slice3A_12 : vector<128x1xf32> to vector<128x128xf32>
    %sub3A_1245 = arith.subf %sub3A_1244, %slice3A_1243 : vector<128x128xf32>
    %slice3A_1246 = vector.extract_strided_slice %get3A_11 {offsets = [0, 5632], sizes = [1, 128], strides = [1, 1]} : vector<1x8192xf32> to vector<1x128xf32>
    %add3A_1247 = vector.broadcast %slice3A_1246 : vector<1x128xf32> to vector<128x128xf32>
    %add3A_1248 = arith.addf %sub3A_1245, %add3A_1247 : vector<128x128xf32>
    %lt3A_1249 = arith.cmpf olt, %add3A_1248, %select_n3A_1239 : vector<128x128xf32>
    %select_n3A_1250 = arith.select %lt3A_1249, %add3A_1248, %select_n3A_1239 : vector<128x128xi1>, vector<128x128xf32>
    %jit3A_1251 = arith.constant 44 : i32
    %broadcast_in_dim3A_1252 = vector.broadcast %jit3A_1251 : i32 to vector<128x128xi32>
    %select_n3A_1253 = arith.select %lt3A_1249, %broadcast_in_dim3A_1252, %select_n3A_1242 : vector<128x128xi1>, vector<128x128xi32>
    %slice3A_1254 = vector.extract_strided_slice %dot_general3A_396 {offsets = [128, 640], sizes = [128, 128], strides = [1, 1]} : vector<256x1024xf32> to vector<128x128xf32>
    %sub3A_1255 = vector.broadcast %slice3A_12 : vector<128x1xf32> to vector<128x128xf32>
    %sub3A_1256 = arith.subf %sub3A_1255, %slice3A_1254 : vector<128x128xf32>
    %slice3A_1257 = vector.extract_strided_slice %get3A_11 {offsets = [0, 5760], sizes = [1, 128], strides = [1, 1]} : vector<1x8192xf32> to vector<1x128xf32>
    %add3A_1258 = vector.broadcast %slice3A_1257 : vector<1x128xf32> to vector<128x128xf32>
    %add3A_1259 = arith.addf %sub3A_1256, %add3A_1258 : vector<128x128xf32>
    %lt3A_1260 = arith.cmpf olt, %add3A_1259, %select_n3A_1250 : vector<128x128xf32>
    %select_n3A_1261 = arith.select %lt3A_1260, %add3A_1259, %select_n3A_1250 : vector<128x128xi1>, vector<128x128xf32>
    %jit3A_1262 = arith.constant 45 : i32
    %broadcast_in_dim3A_1263 = vector.broadcast %jit3A_1262 : i32 to vector<128x128xi32>
    %select_n3A_1264 = arith.select %lt3A_1260, %broadcast_in_dim3A_1263, %select_n3A_1253 : vector<128x128xi1>, vector<128x128xi32>
    %slice3A_1265 = vector.extract_strided_slice %dot_general3A_396 {offsets = [128, 768], sizes = [128, 128], strides = [1, 1]} : vector<256x1024xf32> to vector<128x128xf32>
    %sub3A_1266 = vector.broadcast %slice3A_12 : vector<128x1xf32> to vector<128x128xf32>
    %sub3A_1267 = arith.subf %sub3A_1266, %slice3A_1265 : vector<128x128xf32>
    %slice3A_1268 = vector.extract_strided_slice %get3A_11 {offsets = [0, 5888], sizes = [1, 128], strides = [1, 1]} : vector<1x8192xf32> to vector<1x128xf32>
    %add3A_1269 = vector.broadcast %slice3A_1268 : vector<1x128xf32> to vector<128x128xf32>
    %add3A_1270 = arith.addf %sub3A_1267, %add3A_1269 : vector<128x128xf32>
    %lt3A_1271 = arith.cmpf olt, %add3A_1270, %select_n3A_1261 : vector<128x128xf32>
    %select_n3A_1272 = arith.select %lt3A_1271, %add3A_1270, %select_n3A_1261 : vector<128x128xi1>, vector<128x128xf32>
    %jit3A_1273 = arith.constant 46 : i32
    %broadcast_in_dim3A_1274 = vector.broadcast %jit3A_1273 : i32 to vector<128x128xi32>
    %select_n3A_1275 = arith.select %lt3A_1271, %broadcast_in_dim3A_1274, %select_n3A_1264 : vector<128x128xi1>, vector<128x128xi32>
    %slice3A_1276 = vector.extract_strided_slice %dot_general3A_396 {offsets = [128, 896], sizes = [128, 128], strides = [1, 1]} : vector<256x1024xf32> to vector<128x128xf32>
    %sub3A_1277 = vector.broadcast %slice3A_12 : vector<128x1xf32> to vector<128x128xf32>
    %sub3A_1278 = arith.subf %sub3A_1277, %slice3A_1276 : vector<128x128xf32>
    %slice3A_1279 = vector.extract_strided_slice %get3A_11 {offsets = [0, 6016], sizes = [1, 128], strides = [1, 1]} : vector<1x8192xf32> to vector<1x128xf32>
    %add3A_1280 = vector.broadcast %slice3A_1279 : vector<1x128xf32> to vector<128x128xf32>
    %add3A_1281 = arith.addf %sub3A_1278, %add3A_1280 : vector<128x128xf32>
    %lt3A_1282 = arith.cmpf olt, %add3A_1281, %select_n3A_1272 : vector<128x128xf32>
    %select_n3A_1283 = arith.select %lt3A_1282, %add3A_1281, %select_n3A_1272 : vector<128x128xi1>, vector<128x128xf32>
    %jit3A_1284 = arith.constant 47 : i32
    %broadcast_in_dim3A_1285 = vector.broadcast %jit3A_1284 : i32 to vector<128x128xi32>
    %select_n3A_1286 = arith.select %lt3A_1282, %broadcast_in_dim3A_1285, %select_n3A_1275 : vector<128x128xi1>, vector<128x128xi32>
    %slice3A_1287 = vector.extract_strided_slice %dot_general3A_489 {offsets = [128, 0], sizes = [128, 128], strides = [1, 1]} : vector<256x1024xf32> to vector<128x128xf32>
    %sub3A_1288 = vector.broadcast %slice3A_12 : vector<128x1xf32> to vector<128x128xf32>
    %sub3A_1289 = arith.subf %sub3A_1288, %slice3A_1287 : vector<128x128xf32>
    %slice3A_1290 = vector.extract_strided_slice %get3A_11 {offsets = [0, 6144], sizes = [1, 128], strides = [1, 1]} : vector<1x8192xf32> to vector<1x128xf32>
    %add3A_1291 = vector.broadcast %slice3A_1290 : vector<1x128xf32> to vector<128x128xf32>
    %add3A_1292 = arith.addf %sub3A_1289, %add3A_1291 : vector<128x128xf32>
    %lt3A_1293 = arith.cmpf olt, %add3A_1292, %select_n3A_1283 : vector<128x128xf32>
    %select_n3A_1294 = arith.select %lt3A_1293, %add3A_1292, %select_n3A_1283 : vector<128x128xi1>, vector<128x128xf32>
    %jit3A_1295 = arith.constant 48 : i32
    %broadcast_in_dim3A_1296 = vector.broadcast %jit3A_1295 : i32 to vector<128x128xi32>
    %select_n3A_1297 = arith.select %lt3A_1293, %broadcast_in_dim3A_1296, %select_n3A_1286 : vector<128x128xi1>, vector<128x128xi32>
    %slice3A_1298 = vector.extract_strided_slice %dot_general3A_489 {offsets = [128, 128], sizes = [128, 128], strides = [1, 1]} : vector<256x1024xf32> to vector<128x128xf32>
    %sub3A_1299 = vector.broadcast %slice3A_12 : vector<128x1xf32> to vector<128x128xf32>
    %sub3A_1300 = arith.subf %sub3A_1299, %slice3A_1298 : vector<128x128xf32>
    %slice3A_1301 = vector.extract_strided_slice %get3A_11 {offsets = [0, 6272], sizes = [1, 128], strides = [1, 1]} : vector<1x8192xf32> to vector<1x128xf32>
    %add3A_1302 = vector.broadcast %slice3A_1301 : vector<1x128xf32> to vector<128x128xf32>
    %add3A_1303 = arith.addf %sub3A_1300, %add3A_1302 : vector<128x128xf32>
    %lt3A_1304 = arith.cmpf olt, %add3A_1303, %select_n3A_1294 : vector<128x128xf32>
    %select_n3A_1305 = arith.select %lt3A_1304, %add3A_1303, %select_n3A_1294 : vector<128x128xi1>, vector<128x128xf32>
    %jit3A_1306 = arith.constant 49 : i32
    %broadcast_in_dim3A_1307 = vector.broadcast %jit3A_1306 : i32 to vector<128x128xi32>
    %select_n3A_1308 = arith.select %lt3A_1304, %broadcast_in_dim3A_1307, %select_n3A_1297 : vector<128x128xi1>, vector<128x128xi32>
    %slice3A_1309 = vector.extract_strided_slice %dot_general3A_489 {offsets = [128, 256], sizes = [128, 128], strides = [1, 1]} : vector<256x1024xf32> to vector<128x128xf32>
    %sub3A_1310 = vector.broadcast %slice3A_12 : vector<128x1xf32> to vector<128x128xf32>
    %sub3A_1311 = arith.subf %sub3A_1310, %slice3A_1309 : vector<128x128xf32>
    %slice3A_1312 = vector.extract_strided_slice %get3A_11 {offsets = [0, 6400], sizes = [1, 128], strides = [1, 1]} : vector<1x8192xf32> to vector<1x128xf32>
    %add3A_1313 = vector.broadcast %slice3A_1312 : vector<1x128xf32> to vector<128x128xf32>
    %add3A_1314 = arith.addf %sub3A_1311, %add3A_1313 : vector<128x128xf32>
    %lt3A_1315 = arith.cmpf olt, %add3A_1314, %select_n3A_1305 : vector<128x128xf32>
    %select_n3A_1316 = arith.select %lt3A_1315, %add3A_1314, %select_n3A_1305 : vector<128x128xi1>, vector<128x128xf32>
    %jit3A_1317 = arith.constant 50 : i32
    %broadcast_in_dim3A_1318 = vector.broadcast %jit3A_1317 : i32 to vector<128x128xi32>
    %select_n3A_1319 = arith.select %lt3A_1315, %broadcast_in_dim3A_1318, %select_n3A_1308 : vector<128x128xi1>, vector<128x128xi32>
    %slice3A_1320 = vector.extract_strided_slice %dot_general3A_489 {offsets = [128, 384], sizes = [128, 128], strides = [1, 1]} : vector<256x1024xf32> to vector<128x128xf32>
    %sub3A_1321 = vector.broadcast %slice3A_12 : vector<128x1xf32> to vector<128x128xf32>
    %sub3A_1322 = arith.subf %sub3A_1321, %slice3A_1320 : vector<128x128xf32>
    %slice3A_1323 = vector.extract_strided_slice %get3A_11 {offsets = [0, 6528], sizes = [1, 128], strides = [1, 1]} : vector<1x8192xf32> to vector<1x128xf32>
    %add3A_1324 = vector.broadcast %slice3A_1323 : vector<1x128xf32> to vector<128x128xf32>
    %add3A_1325 = arith.addf %sub3A_1322, %add3A_1324 : vector<128x128xf32>
    %lt3A_1326 = arith.cmpf olt, %add3A_1325, %select_n3A_1316 : vector<128x128xf32>
    %select_n3A_1327 = arith.select %lt3A_1326, %add3A_1325, %select_n3A_1316 : vector<128x128xi1>, vector<128x128xf32>
    %jit3A_1328 = arith.constant 51 : i32
    %broadcast_in_dim3A_1329 = vector.broadcast %jit3A_1328 : i32 to vector<128x128xi32>
    %select_n3A_1330 = arith.select %lt3A_1326, %broadcast_in_dim3A_1329, %select_n3A_1319 : vector<128x128xi1>, vector<128x128xi32>
    %slice3A_1331 = vector.extract_strided_slice %dot_general3A_489 {offsets = [128, 512], sizes = [128, 128], strides = [1, 1]} : vector<256x1024xf32> to vector<128x128xf32>
    %sub3A_1332 = vector.broadcast %slice3A_12 : vector<128x1xf32> to vector<128x128xf32>
    %sub3A_1333 = arith.subf %sub3A_1332, %slice3A_1331 : vector<128x128xf32>
    %slice3A_1334 = vector.extract_strided_slice %get3A_11 {offsets = [0, 6656], sizes = [1, 128], strides = [1, 1]} : vector<1x8192xf32> to vector<1x128xf32>
    %add3A_1335 = vector.broadcast %slice3A_1334 : vector<1x128xf32> to vector<128x128xf32>
    %add3A_1336 = arith.addf %sub3A_1333, %add3A_1335 : vector<128x128xf32>
    %lt3A_1337 = arith.cmpf olt, %add3A_1336, %select_n3A_1327 : vector<128x128xf32>
    %select_n3A_1338 = arith.select %lt3A_1337, %add3A_1336, %select_n3A_1327 : vector<128x128xi1>, vector<128x128xf32>
    %jit3A_1339 = arith.constant 52 : i32
    %broadcast_in_dim3A_1340 = vector.broadcast %jit3A_1339 : i32 to vector<128x128xi32>
    %select_n3A_1341 = arith.select %lt3A_1337, %broadcast_in_dim3A_1340, %select_n3A_1330 : vector<128x128xi1>, vector<128x128xi32>
    %slice3A_1342 = vector.extract_strided_slice %dot_general3A_489 {offsets = [128, 640], sizes = [128, 128], strides = [1, 1]} : vector<256x1024xf32> to vector<128x128xf32>
    %sub3A_1343 = vector.broadcast %slice3A_12 : vector<128x1xf32> to vector<128x128xf32>
    %sub3A_1344 = arith.subf %sub3A_1343, %slice3A_1342 : vector<128x128xf32>
    %slice3A_1345 = vector.extract_strided_slice %get3A_11 {offsets = [0, 6784], sizes = [1, 128], strides = [1, 1]} : vector<1x8192xf32> to vector<1x128xf32>
    %add3A_1346 = vector.broadcast %slice3A_1345 : vector<1x128xf32> to vector<128x128xf32>
    %add3A_1347 = arith.addf %sub3A_1344, %add3A_1346 : vector<128x128xf32>
    %lt3A_1348 = arith.cmpf olt, %add3A_1347, %select_n3A_1338 : vector<128x128xf32>
    %select_n3A_1349 = arith.select %lt3A_1348, %add3A_1347, %select_n3A_1338 : vector<128x128xi1>, vector<128x128xf32>
    %jit3A_1350 = arith.constant 53 : i32
    %broadcast_in_dim3A_1351 = vector.broadcast %jit3A_1350 : i32 to vector<128x128xi32>
    %select_n3A_1352 = arith.select %lt3A_1348, %broadcast_in_dim3A_1351, %select_n3A_1341 : vector<128x128xi1>, vector<128x128xi32>
    %slice3A_1353 = vector.extract_strided_slice %dot_general3A_489 {offsets = [128, 768], sizes = [128, 128], strides = [1, 1]} : vector<256x1024xf32> to vector<128x128xf32>
    %sub3A_1354 = vector.broadcast %slice3A_12 : vector<128x1xf32> to vector<128x128xf32>
    %sub3A_1355 = arith.subf %sub3A_1354, %slice3A_1353 : vector<128x128xf32>
    %slice3A_1356 = vector.extract_strided_slice %get3A_11 {offsets = [0, 6912], sizes = [1, 128], strides = [1, 1]} : vector<1x8192xf32> to vector<1x128xf32>
    %add3A_1357 = vector.broadcast %slice3A_1356 : vector<1x128xf32> to vector<128x128xf32>
    %add3A_1358 = arith.addf %sub3A_1355, %add3A_1357 : vector<128x128xf32>
    %lt3A_1359 = arith.cmpf olt, %add3A_1358, %select_n3A_1349 : vector<128x128xf32>
    %select_n3A_1360 = arith.select %lt3A_1359, %add3A_1358, %select_n3A_1349 : vector<128x128xi1>, vector<128x128xf32>
    %jit3A_1361 = arith.constant 54 : i32
    %broadcast_in_dim3A_1362 = vector.broadcast %jit3A_1361 : i32 to vector<128x128xi32>
    %select_n3A_1363 = arith.select %lt3A_1359, %broadcast_in_dim3A_1362, %select_n3A_1352 : vector<128x128xi1>, vector<128x128xi32>
    %slice3A_1364 = vector.extract_strided_slice %dot_general3A_489 {offsets = [128, 896], sizes = [128, 128], strides = [1, 1]} : vector<256x1024xf32> to vector<128x128xf32>
    %sub3A_1365 = vector.broadcast %slice3A_12 : vector<128x1xf32> to vector<128x128xf32>
    %sub3A_1366 = arith.subf %sub3A_1365, %slice3A_1364 : vector<128x128xf32>
    %slice3A_1367 = vector.extract_strided_slice %get3A_11 {offsets = [0, 7040], sizes = [1, 128], strides = [1, 1]} : vector<1x8192xf32> to vector<1x128xf32>
    %add3A_1368 = vector.broadcast %slice3A_1367 : vector<1x128xf32> to vector<128x128xf32>
    %add3A_1369 = arith.addf %sub3A_1366, %add3A_1368 : vector<128x128xf32>
    %lt3A_1370 = arith.cmpf olt, %add3A_1369, %select_n3A_1360 : vector<128x128xf32>
    %select_n3A_1371 = arith.select %lt3A_1370, %add3A_1369, %select_n3A_1360 : vector<128x128xi1>, vector<128x128xf32>
    %jit3A_1372 = arith.constant 55 : i32
    %broadcast_in_dim3A_1373 = vector.broadcast %jit3A_1372 : i32 to vector<128x128xi32>
    %select_n3A_1374 = arith.select %lt3A_1370, %broadcast_in_dim3A_1373, %select_n3A_1363 : vector<128x128xi1>, vector<128x128xi32>
    %slice3A_1375 = vector.extract_strided_slice %dot_general3A_582 {offsets = [128, 0], sizes = [128, 128], strides = [1, 1]} : vector<256x1024xf32> to vector<128x128xf32>
    %sub3A_1376 = vector.broadcast %slice3A_12 : vector<128x1xf32> to vector<128x128xf32>
    %sub3A_1377 = arith.subf %sub3A_1376, %slice3A_1375 : vector<128x128xf32>
    %slice3A_1378 = vector.extract_strided_slice %get3A_11 {offsets = [0, 7168], sizes = [1, 128], strides = [1, 1]} : vector<1x8192xf32> to vector<1x128xf32>
    %add3A_1379 = vector.broadcast %slice3A_1378 : vector<1x128xf32> to vector<128x128xf32>
    %add3A_1380 = arith.addf %sub3A_1377, %add3A_1379 : vector<128x128xf32>
    %lt3A_1381 = arith.cmpf olt, %add3A_1380, %select_n3A_1371 : vector<128x128xf32>
    %select_n3A_1382 = arith.select %lt3A_1381, %add3A_1380, %select_n3A_1371 : vector<128x128xi1>, vector<128x128xf32>
    %jit3A_1383 = arith.constant 56 : i32
    %broadcast_in_dim3A_1384 = vector.broadcast %jit3A_1383 : i32 to vector<128x128xi32>
    %select_n3A_1385 = arith.select %lt3A_1381, %broadcast_in_dim3A_1384, %select_n3A_1374 : vector<128x128xi1>, vector<128x128xi32>
    %slice3A_1386 = vector.extract_strided_slice %dot_general3A_582 {offsets = [128, 128], sizes = [128, 128], strides = [1, 1]} : vector<256x1024xf32> to vector<128x128xf32>
    %sub3A_1387 = vector.broadcast %slice3A_12 : vector<128x1xf32> to vector<128x128xf32>
    %sub3A_1388 = arith.subf %sub3A_1387, %slice3A_1386 : vector<128x128xf32>
    %slice3A_1389 = vector.extract_strided_slice %get3A_11 {offsets = [0, 7296], sizes = [1, 128], strides = [1, 1]} : vector<1x8192xf32> to vector<1x128xf32>
    %add3A_1390 = vector.broadcast %slice3A_1389 : vector<1x128xf32> to vector<128x128xf32>
    %add3A_1391 = arith.addf %sub3A_1388, %add3A_1390 : vector<128x128xf32>
    %lt3A_1392 = arith.cmpf olt, %add3A_1391, %select_n3A_1382 : vector<128x128xf32>
    %select_n3A_1393 = arith.select %lt3A_1392, %add3A_1391, %select_n3A_1382 : vector<128x128xi1>, vector<128x128xf32>
    %jit3A_1394 = arith.constant 57 : i32
    %broadcast_in_dim3A_1395 = vector.broadcast %jit3A_1394 : i32 to vector<128x128xi32>
    %select_n3A_1396 = arith.select %lt3A_1392, %broadcast_in_dim3A_1395, %select_n3A_1385 : vector<128x128xi1>, vector<128x128xi32>
    %slice3A_1397 = vector.extract_strided_slice %dot_general3A_582 {offsets = [128, 256], sizes = [128, 128], strides = [1, 1]} : vector<256x1024xf32> to vector<128x128xf32>
    %sub3A_1398 = vector.broadcast %slice3A_12 : vector<128x1xf32> to vector<128x128xf32>
    %sub3A_1399 = arith.subf %sub3A_1398, %slice3A_1397 : vector<128x128xf32>
    %slice3A_1400 = vector.extract_strided_slice %get3A_11 {offsets = [0, 7424], sizes = [1, 128], strides = [1, 1]} : vector<1x8192xf32> to vector<1x128xf32>
    %add3A_1401 = vector.broadcast %slice3A_1400 : vector<1x128xf32> to vector<128x128xf32>
    %add3A_1402 = arith.addf %sub3A_1399, %add3A_1401 : vector<128x128xf32>
    %lt3A_1403 = arith.cmpf olt, %add3A_1402, %select_n3A_1393 : vector<128x128xf32>
    %select_n3A_1404 = arith.select %lt3A_1403, %add3A_1402, %select_n3A_1393 : vector<128x128xi1>, vector<128x128xf32>
    %jit3A_1405 = arith.constant 58 : i32
    %broadcast_in_dim3A_1406 = vector.broadcast %jit3A_1405 : i32 to vector<128x128xi32>
    %select_n3A_1407 = arith.select %lt3A_1403, %broadcast_in_dim3A_1406, %select_n3A_1396 : vector<128x128xi1>, vector<128x128xi32>
    %slice3A_1408 = vector.extract_strided_slice %dot_general3A_582 {offsets = [128, 384], sizes = [128, 128], strides = [1, 1]} : vector<256x1024xf32> to vector<128x128xf32>
    %sub3A_1409 = vector.broadcast %slice3A_12 : vector<128x1xf32> to vector<128x128xf32>
    %sub3A_1410 = arith.subf %sub3A_1409, %slice3A_1408 : vector<128x128xf32>
    %slice3A_1411 = vector.extract_strided_slice %get3A_11 {offsets = [0, 7552], sizes = [1, 128], strides = [1, 1]} : vector<1x8192xf32> to vector<1x128xf32>
    %add3A_1412 = vector.broadcast %slice3A_1411 : vector<1x128xf32> to vector<128x128xf32>
    %add3A_1413 = arith.addf %sub3A_1410, %add3A_1412 : vector<128x128xf32>
    %lt3A_1414 = arith.cmpf olt, %add3A_1413, %select_n3A_1404 : vector<128x128xf32>
    %select_n3A_1415 = arith.select %lt3A_1414, %add3A_1413, %select_n3A_1404 : vector<128x128xi1>, vector<128x128xf32>
    %jit3A_1416 = arith.constant 59 : i32
    %broadcast_in_dim3A_1417 = vector.broadcast %jit3A_1416 : i32 to vector<128x128xi32>
    %select_n3A_1418 = arith.select %lt3A_1414, %broadcast_in_dim3A_1417, %select_n3A_1407 : vector<128x128xi1>, vector<128x128xi32>
    %slice3A_1419 = vector.extract_strided_slice %dot_general3A_582 {offsets = [128, 512], sizes = [128, 128], strides = [1, 1]} : vector<256x1024xf32> to vector<128x128xf32>
    %sub3A_1420 = vector.broadcast %slice3A_12 : vector<128x1xf32> to vector<128x128xf32>
    %sub3A_1421 = arith.subf %sub3A_1420, %slice3A_1419 : vector<128x128xf32>
    %slice3A_1422 = vector.extract_strided_slice %get3A_11 {offsets = [0, 7680], sizes = [1, 128], strides = [1, 1]} : vector<1x8192xf32> to vector<1x128xf32>
    %add3A_1423 = vector.broadcast %slice3A_1422 : vector<1x128xf32> to vector<128x128xf32>
    %add3A_1424 = arith.addf %sub3A_1421, %add3A_1423 : vector<128x128xf32>
    %lt3A_1425 = arith.cmpf olt, %add3A_1424, %select_n3A_1415 : vector<128x128xf32>
    %select_n3A_1426 = arith.select %lt3A_1425, %add3A_1424, %select_n3A_1415 : vector<128x128xi1>, vector<128x128xf32>
    %jit3A_1427 = arith.constant 60 : i32
    %broadcast_in_dim3A_1428 = vector.broadcast %jit3A_1427 : i32 to vector<128x128xi32>
    %select_n3A_1429 = arith.select %lt3A_1425, %broadcast_in_dim3A_1428, %select_n3A_1418 : vector<128x128xi1>, vector<128x128xi32>
    %slice3A_1430 = vector.extract_strided_slice %dot_general3A_582 {offsets = [128, 640], sizes = [128, 128], strides = [1, 1]} : vector<256x1024xf32> to vector<128x128xf32>
    %sub3A_1431 = vector.broadcast %slice3A_12 : vector<128x1xf32> to vector<128x128xf32>
    %sub3A_1432 = arith.subf %sub3A_1431, %slice3A_1430 : vector<128x128xf32>
    %slice3A_1433 = vector.extract_strided_slice %get3A_11 {offsets = [0, 7808], sizes = [1, 128], strides = [1, 1]} : vector<1x8192xf32> to vector<1x128xf32>
    %add3A_1434 = vector.broadcast %slice3A_1433 : vector<1x128xf32> to vector<128x128xf32>
    %add3A_1435 = arith.addf %sub3A_1432, %add3A_1434 : vector<128x128xf32>
    %lt3A_1436 = arith.cmpf olt, %add3A_1435, %select_n3A_1426 : vector<128x128xf32>
    %select_n3A_1437 = arith.select %lt3A_1436, %add3A_1435, %select_n3A_1426 : vector<128x128xi1>, vector<128x128xf32>
    %jit3A_1438 = arith.constant 61 : i32
    %broadcast_in_dim3A_1439 = vector.broadcast %jit3A_1438 : i32 to vector<128x128xi32>
    %select_n3A_1440 = arith.select %lt3A_1436, %broadcast_in_dim3A_1439, %select_n3A_1429 : vector<128x128xi1>, vector<128x128xi32>
    %slice3A_1441 = vector.extract_strided_slice %dot_general3A_582 {offsets = [128, 768], sizes = [128, 128], strides = [1, 1]} : vector<256x1024xf32> to vector<128x128xf32>
    %sub3A_1442 = vector.broadcast %slice3A_12 : vector<128x1xf32> to vector<128x128xf32>
    %sub3A_1443 = arith.subf %sub3A_1442, %slice3A_1441 : vector<128x128xf32>
    %slice3A_1444 = vector.extract_strided_slice %get3A_11 {offsets = [0, 7936], sizes = [1, 128], strides = [1, 1]} : vector<1x8192xf32> to vector<1x128xf32>
    %add3A_1445 = vector.broadcast %slice3A_1444 : vector<1x128xf32> to vector<128x128xf32>
    %add3A_1446 = arith.addf %sub3A_1443, %add3A_1445 : vector<128x128xf32>
    %lt3A_1447 = arith.cmpf olt, %add3A_1446, %select_n3A_1437 : vector<128x128xf32>
    %select_n3A_1448 = arith.select %lt3A_1447, %add3A_1446, %select_n3A_1437 : vector<128x128xi1>, vector<128x128xf32>
    %jit3A_1449 = arith.constant 62 : i32
    %broadcast_in_dim3A_1450 = vector.broadcast %jit3A_1449 : i32 to vector<128x128xi32>
    %select_n3A_1451 = arith.select %lt3A_1447, %broadcast_in_dim3A_1450, %select_n3A_1440 : vector<128x128xi1>, vector<128x128xi32>
    %slice3A_1452 = vector.extract_strided_slice %dot_general3A_582 {offsets = [128, 896], sizes = [128, 128], strides = [1, 1]} : vector<256x1024xf32> to vector<128x128xf32>
    %sub3A_1453 = vector.broadcast %slice3A_12 : vector<128x1xf32> to vector<128x128xf32>
    %sub3A_1454 = arith.subf %sub3A_1453, %slice3A_1452 : vector<128x128xf32>
    %slice3A_1455 = vector.extract_strided_slice %get3A_11 {offsets = [0, 8064], sizes = [1, 128], strides = [1, 1]} : vector<1x8192xf32> to vector<1x128xf32>
    %add3A_1456 = vector.broadcast %slice3A_1455 : vector<1x128xf32> to vector<128x128xf32>
    %add3A_1457 = arith.addf %sub3A_1454, %add3A_1456 : vector<128x128xf32>
    %lt3A_1458 = arith.cmpf olt, %add3A_1457, %select_n3A_1448 : vector<128x128xf32>
    %select_n3A_1459 = arith.select %lt3A_1458, %add3A_1457, %select_n3A_1448 : vector<128x128xi1>, vector<128x128xf32>
    %jit3A_1460 = arith.constant 63 : i32
    %broadcast_in_dim3A_1461 = vector.broadcast %jit3A_1460 : i32 to vector<128x128xi32>
    %select_n3A_1462 = arith.select %lt3A_1458, %broadcast_in_dim3A_1461, %select_n3A_1451 : vector<128x128xi1>, vector<128x128xi32>
    %iota3A = tpu.iota {dimensions = array<i32: 1>} : vector<128x128xi32>
    %reduce_min3A = arith.constant dense<0x7F800000> : vector<128xf32>
    %reduce_min3A_1463 = vector.multi_reduction <minimumf>, %select_n3A_755, %reduce_min3A [1] : vector<128x128xf32> to vector<128xf32>
    %broadcast_in_dim3A_1464 = vector.shape_cast %reduce_min3A_1463 : vector<128xf32> to vector<128x1xf32>
    %mul3A_1465 = arith.constant 128 : i32
    %mul3A_1466 = vector.broadcast %mul3A_1465 : i32 to vector<128x128xi32>
    %mul3A_1467 = arith.muli %select_n3A_758, %mul3A_1466 : vector<128x128xi32>
    %add3A_1468 = arith.addi %mul3A_1467, %iota3A : vector<128x128xi32>
    %le3A = vector.broadcast %broadcast_in_dim3A_1464 : vector<128x1xf32> to vector<128x128xf32>
    %le3A_1469 = arith.cmpf ole, %select_n3A_755, %le3A : vector<128x128xf32>
    %jit3A_1470 = arith.constant 8192 : i32
    %broadcast_in_dim3A_1471 = vector.broadcast %jit3A_1470 : i32 to vector<128x128xi32>
    %select_n3A_1472 = arith.select %le3A_1469, %add3A_1468, %broadcast_in_dim3A_1471 : vector<128x128xi1>, vector<128x128xi32>
    %reduce_min3A_1473 = arith.constant dense<2147483647> : vector<128xi32>
    %reduce_min3A_1474 = vector.multi_reduction <minsi>, %select_n3A_1472, %reduce_min3A_1473 [1] : vector<128x128xi32> to vector<128xi32>
    %swap3A = arith.constant 0 : index
    %swap3A_1475 = arith.constant 0 : index
    %swap3A_1476 = arith.constant 0 : index
    %swap3A_1477 = vector.load %arg3[%swap3A, %swap3A_1475, %swap3A_1476] : memref<1x1x256xi32, #tpu.memory_space<vmem>>, vector<1x1x128xi32>
    %swap3A_1478 = vector.shape_cast %swap3A_1477 : vector<1x1x128xi32> to vector<128xi32>
    %swap3A_1479 = vector.shape_cast %reduce_min3A_1474 : vector<128xi32> to vector<1x1x128xi32>
    tpu.vector_store %arg3[%swap3A, %swap3A_1475, %swap3A_1476], %swap3A_1479 {strides = array<i32>} : memref<1x1x256xi32, #tpu.memory_space<vmem>>, vector<1x1x128xi32>,
    %reduce_sum3A_1480 = vector.shape_cast %broadcast_in_dim3A_1464 : vector<128x1xf32> to vector<1x128x1xf32>
    %reduce_sum3A_1481 = arith.constant dense<0.000000e+00> : vector<1xf32>
    %reduce_sum3A_1482 = vector.multi_reduction <add>, %reduce_sum3A_1480, %reduce_sum3A_1481 [1, 2] : vector<1x128x1xf32> to vector<1xf32>
    %reduce_sum3A_1483 = vector.shape_cast %reduce_sum3A_1482 : vector<1xf32> to vector<1x1x1xf32>
    %reduce_sum3A_1484 = vector.extract %reduce_sum3A_1483[0, 0, 0] : f32 from vector<1x1x1xf32>
    %add3A_1485 = arith.constant 0.000000e+00 : f32
    %add3A_1486 = arith.addf %add3A_1485, %reduce_sum3A_1484 : f32
    %reduce_min3A_1487 = arith.constant dense<0x7F800000> : vector<128xf32>
    %reduce_min3A_1488 = vector.multi_reduction <minimumf>, %select_n3A_1459, %reduce_min3A_1487 [1] : vector<128x128xf32> to vector<128xf32>
    %broadcast_in_dim3A_1489 = vector.shape_cast %reduce_min3A_1488 : vector<128xf32> to vector<128x1xf32>
    %mul3A_1490 = arith.constant 128 : i32
    %mul3A_1491 = vector.broadcast %mul3A_1490 : i32 to vector<128x128xi32>
    %mul3A_1492 = arith.muli %select_n3A_1462, %mul3A_1491 : vector<128x128xi32>
    %add3A_1493 = arith.addi %mul3A_1492, %iota3A : vector<128x128xi32>
    %le3A_1494 = vector.broadcast %broadcast_in_dim3A_1489 : vector<128x1xf32> to vector<128x128xf32>
    %le3A_1495 = arith.cmpf ole, %select_n3A_1459, %le3A_1494 : vector<128x128xf32>
    %jit3A_1496 = arith.constant 8192 : i32
    %broadcast_in_dim3A_1497 = vector.broadcast %jit3A_1496 : i32 to vector<128x128xi32>
    %select_n3A_1498 = arith.select %le3A_1495, %add3A_1493, %broadcast_in_dim3A_1497 : vector<128x128xi1>, vector<128x128xi32>
    %reduce_min3A_1499 = arith.constant dense<2147483647> : vector<128xi32>
    %reduce_min3A_1500 = vector.multi_reduction <minsi>, %select_n3A_1498, %reduce_min3A_1499 [1] : vector<128x128xi32> to vector<128xi32>
    %swap3A_1501 = arith.constant 0 : index
    %swap3A_1502 = arith.constant 0 : index
    %swap3A_1503 = arith.constant 128 : index
    %swap3A_1504 = vector.load %arg3[%swap3A_1501, %swap3A_1502, %swap3A_1503] : memref<1x1x256xi32, #tpu.memory_space<vmem>>, vector<1x1x128xi32>
    %swap3A_1505 = vector.shape_cast %swap3A_1504 : vector<1x1x128xi32> to vector<128xi32>
    %swap3A_1506 = vector.shape_cast %reduce_min3A_1500 : vector<128xi32> to vector<1x1x128xi32>
    tpu.vector_store %arg3[%swap3A_1501, %swap3A_1502, %swap3A_1503], %swap3A_1506 {strides = array<i32>} : memref<1x1x256xi32, #tpu.memory_space<vmem>>, vector<1x1x128xi32>,
    %reduce_sum3A_1507 = vector.shape_cast %broadcast_in_dim3A_1489 : vector<128x1xf32> to vector<1x128x1xf32>
    %reduce_sum3A_1508 = arith.constant dense<0.000000e+00> : vector<1xf32>
    %reduce_sum3A_1509 = vector.multi_reduction <add>, %reduce_sum3A_1507, %reduce_sum3A_1508 [1, 2] : vector<1x128x1xf32> to vector<1xf32>
    %reduce_sum3A_1510 = vector.shape_cast %reduce_sum3A_1509 : vector<1xf32> to vector<1x1x1xf32>
    %reduce_sum3A_1511 = vector.extract %reduce_sum3A_1510[0, 0, 0] : f32 from vector<1x1x1xf32>
    %add3A_1512 = arith.addf %add3A_1486, %reduce_sum3A_1511 : f32
    %get3A_1513 = arith.constant 0 : index
    %get3A_1514 = arith.constant 0 : index
    %get3A_1515 = vector.load %arg4[%get3A_1513, %get3A_1514] : memref<1x1xf32, #tpu.memory_space<vmem>>, vector<1x1xf32>
    %add3A_1516 = vector.broadcast %add3A_1512 : f32 to vector<1x1xf32>
    %add3A_1517 = arith.addf %get3A_1515, %add3A_1516 : vector<1x1xf32>
    %swap3A_1518 = arith.constant 0 : index
    %swap3A_1519 = arith.constant 0 : index
    %swap3A_1520 = vector.load %arg4[%swap3A_1518, %swap3A_1519] : memref<1x1xf32, #tpu.memory_space<vmem>>, vector<1x1xf32>
    tpu.vector_store %arg4[%swap3A_1518, %swap3A_1519], %add3A_1517 {strides = array<i32>} : memref<1x1xf32, #tpu.memory_space<vmem>>, vector<1x1xf32>,
    return
  }
  func.func @transform_0(%arg0: i32) -> (i32, i32) {
    %c0_i32 = arith.constant 0 : i32
    %c0_i32_0 = arith.constant 0 : i32
    return %arg0, %c0_i32 : i32, i32
  }
  func.func @transform_1(%arg0: i32) -> (i32, i32) {
    %c0_i32 = arith.constant 0 : i32
    %c0_i32_0 = arith.constant 0 : i32
    %c0_i32_1 = arith.constant 0 : i32
    return %c0_i32, %c0_i32_0 : i32, i32
  }
  func.func @transform_2(%arg0: i32) -> (i32, i32, i32) {
    %c0_i32 = arith.constant 0 : i32
    %c0_i32_0 = arith.constant 0 : i32
    %c0_i32_1 = arith.constant 0 : i32
    return %arg0, %c0_i32, %c0_i32_0 : i32, i32, i32
  }
  func.func @transform_3(%arg0: i32) -> (i32, i32) {
    %c0_i32 = arith.constant 0 : i32
    %c0_i32_0 = arith.constant 0 : i32
    %c0_i32_1 = arith.constant 0 : i32
    return %c0_i32, %c0_i32_0 : i32, i32
  }
}

</mosaic_0001>

<sc_bundles>
// kernel: kernel.4.cloned.1.call-start
scs
__scs_entry_jumppad:
0x0: {  	(pc) =	sbr.rel $0x88, $3  }
0x1: {  	(tag) =	ssettag $0x0;
	lr =	simm.s32 $0x1  }
0x2: {  	[smem:$0x3F9F] =	sst lr;
	_ =	strace $0xD0000000  }
0x3: {  	_ = 	snop  }
0x4: {  	_ = 	snop  }
0x5: {  	_ = 	snop  }
0x6: {  	_ = 	snop  }
0x7: {  	_ = 	snop  }
__scs_overlays_trampoline_lowered:
0x8: {  	[smem:$0x3FAE] =	sst s0  }
0x9: {  	[smem:$0x3FAF] =	sst s1  }
0xa: {  	[smem:$0x3FB0] =	sst s2  }
0xb: {  	[smem:$0x3FB1] =	sst s3  }
0xc: {  	[smem:$0x3FB2] =	sst s4  }
0xd: {  	[smem:$0x3FB3] =	sst s5  }
0xe: {  	[smem:$0x3FB4] =	sst s6  }
0xf: {  	[smem:$0x3FB5] =	sst s7  }
0x10: {  	[smem:$0x3FB6] =	sst s8  }
0x11: {  	[smem:$0x3FB7] =	sst s9;
	s0 =	simm.s32 @!p0 $0x0  }
0x12: {  	s1 =	sld [smem:$0x3F9D];
	s0 =	simm.s32 @p0 $0x1  }
0x13: {  	[smem:$0x3FB8] =	sst s0;
	s0 =	simm.s32 @!p1 $0x0  }
0x14: {  	s2 =	sld [smem:$0x3F9C];
	s0 =	simm.s32 @p1 $0x1  }
0x15: {  	[smem:$0x3FB9] =	sst s0;
	s0 =	simm.s32 @!p2 $0x0  }
0x16: {  	s3 =	sld [smem:$0x3FDB];
	s0 =	simm.s32 @p2 $0x1  }
0x17: {  	s4 =	simm.s32 $0x1BF5;
	[smem:$0x3FBB] =	sst s0  }
0x18: {  	s0 =	sld [smem:$0x3F9E];
	_ =	swait.ge [sflag:s4], $0x0  }
0x19: {  	s7 =	sld [smem:$0x3F9F]  }
0x1a: {  	s8 =	sadd.s32 $0xFFFFE003, lr  }
0x1b: {  	s9 =	sadd.s32 $0xFFFFFEF7, lr;
	s5 =	simm.s32 $0xFFFFFFFF;
	p2 =	slt.u32 s8, $0xFFFFF086  }
0x1c: {  	p1 =	slt.u32 s9, $0xF7A;
	s5 =	simm.s32 @!p2 $0x0  }
0x1d: {  	s5 =	simm.s32 @p1 $0x1;
	p0 =	seq.s32 s7, s2  }
0x1e: {  	s7 =	smul.u32 @!p0 $0xF7A, s2;
	p2 =	seq.s32 @!p0 s5, $0x0  }
0x1f: {  	s9 =	smul.u32 $0xF7A, s1;
	s8 =	simm.s32 @!p0 $0x1BF5;
	p2 =	por !p2, p0  }
0x20: {  	[sflag:s8] =	ssyncset.s32 @!p0 $0xFFFFF086;
	s6 =	sadd.s32 @!p0 s3, s7;
	s7 =	simm.s32 @!p0 $0x108  }
0x21: {  	s3 =	sadd.s32 s3, s9;
	s6 =	sadd.s32 @!p0 $0x88, s6;
	s7 =	simm.s32 @p2 $0x1082  }
0x22: {  	[simem:s7], [sflag:s8] =	dma.local @!p0 [hbm:s6], $0xF7A  }
0x23: {  	s9 =	sor.u32 $0xD0000000, s2;
	s6 =	simm.s32 $0x108;
	_ =	swait.ge @!p0 [sflag:s8], $0x0  }
0x24: {  	s3 =	sadd.s32 $0x88, s3;
	s6 =	simm.s32 @!p1 $0x1082;
	[sflag:s4] =	ssyncset.s32 $0xFFFFF086  }
0x25: {  	[simem:s6], [sflag:s4] =	dma.local [hbm:s3], $0xF7A  }
0x26: {  	[smem:$0x3F9F] =	sst s1;
	(tag) =	ssettag s2;
	_ =	strace s9  }
0x27: {  	s1 =	sld [smem:$0x3FAF]  }
0x28: {  	s2 =	sld [smem:$0x3FB0]  }
0x29: {  	s4 =	sld [smem:$0x3FB2]  }
0x2a: {  	p0 =	seq.s32 s5, $0x0;
	s5 =	sld [smem:$0x3FB3]  }
0x2b: {  	s6 =	sld [smem:$0x3FB4]  }
0x2c: {  	s7 =	sld [smem:$0x3FB5]  }
0x2d: {  	s3 =	simm.s32 $0x108;
	s8 =	sld [smem:$0x3FB6]  }
0x2e: {  	s3 =	simm.s32 @!p0 $0x1082;
	s9 =	sld [smem:$0x3FB7]  }
0x2f: {  	lr =	sadd.s32 s0, s3;
	s0 =	sld [smem:$0x3FAE]  }
0x30: {  	s3 =	sld [smem:$0x3FB1]  }
0x31: {  	[smem:$0x3FBA] =	sst s10  }
0x32: {  	s10 =	sld [smem:$0x3FB8];
	_ =	sdelay $0x3  }
0x33: {  	p0 =	seq.s32 s10, $0x1;
	s10 =	sld [smem:$0x3FBA];
	_ =	sdelay $0x3  }
0x34: {  	[smem:$0x3FBA] =	sst s10  }
0x35: {  	s10 =	sld [smem:$0x3FB9];
	_ =	sdelay $0x3  }
0x36: {  	p1 =	seq.s32 s10, $0x1;
	s10 =	sld [smem:$0x3FBA];
	_ =	sdelay $0x3  }
0x37: {  	[smem:$0x3FBA] =	sst s10  }
0x38: {  	s10 =	sld [smem:$0x3FBB]  }
0x39: {  	_ = 	snop;
	(pc) =	sbr.ind lr, $3  }
0x3a: {  	_ = 	snop  }
0x3b: {  	_ = 	snop  }
0x3c: {  	p2 =	seq.s32 s10, $0x1;
	s10 =	sld [smem:$0x3FBA]  }
0x3d: {  	_ =	shalt  }
0x3e: {  	_ =	shalt  }
0x3f: {  	_ =	shalt  }
0x40: {  	_ =	shalt  }
0x41: {  	_ =	shalt  }
0x42: {  	_ =	shalt  }
0x43: {  	_ =	shalt  }
0x44: {  	_ =	shalt  }
0x45: {  	_ =	shalt  }
0x46: {  	_ =	shalt  }
0x47: {  	_ =	shalt  }
0x48: {  	_ =	shalt  }
0x49: {  	_ =	shalt  }
0x4a: {  	_ =	shalt  }
0x4b: {  	_ =	shalt  }
0x4c: {  	_ =	shalt  }
0x4d: {  	_ =	shalt  }
0x4e: {  	_ =	shalt  }
0x4f: {  	_ =	shalt  }
0x50: {  	_ =	shalt  }
0x51: {  	_ =	shalt  }
0x52: {  	_ =	shalt  }
0x53: {  	_ =	shalt  }
0x54: {  	_ =	shalt  }
0x55: {  	_ =	shalt  }
0x56: {  	_ =	shalt  }
0x57: {  	_ =	shalt  }
0x58: {  	_ =	shalt  }
0x59: {  	_ =	shalt  }
0x5a: {  	_ =	shalt  }
0x5b: {  	_ =	shalt  }
0x5c: {  	_ =	shalt  }
0x5d: {  	_ =	shalt  }
0x5e: {  	_ =	shalt  }
0x5f: {  	_ =	shalt  }
0x60: {  	_ =	shalt  }
0x61: {  	_ =	shalt  }
0x62: {  	_ =	shalt  }
0x63: {  	_ =	shalt  }
0x64: {  	_ =	shalt  }
0x65: {  	_ =	shalt  }
0x66: {  	_ =	shalt  }
0x67: {  	_ =	shalt  }
0x68: {  	_ =	shalt  }
0x69: {  	_ =	shalt  }
0x6a: {  	_ =	shalt  }
0x6b: {  	_ =	shalt  }
0x6c: {  	_ =	shalt  }
0x6d: {  	_ =	shalt  }
0x6e: {  	_ =	shalt  }
0x6f: {  	_ =	shalt  }
0x70: {  	_ =	shalt  }
0x71: {  	_ =	shalt  }
0x72: {  	_ =	shalt  }
0x73: {  	_ =	shalt  }
0x74: {  	_ =	shalt  }
0x75: {  	_ =	shalt  }
0x76: {  	_ =	shalt  }
0x77: {  	_ =	shalt  }
0x78: {  	_ =	shalt  }
0x79: {  	_ =	shalt  }
0x7a: {  	_ =	shalt  }
0x7b: {  	_ =	shalt  }
0x7c: {  	_ =	shalt  }
0x7d: {  	_ =	shalt  }
0x7e: {  	_ =	shalt  }
0x7f: {  	_ =	shalt  }
0x80: {  	_ =	shalt  }
0x81: {  	_ =	shalt  }
0x82: {  	_ =	shalt  }
0x83: {  	_ =	shalt  }
0x84: {  	_ =	shalt  }
0x85: {  	_ =	shalt  }
0x86: {  	_ =	shalt  }
0x87: {  	_ =	shalt  }
.Lfunc_end0:
.L_simem_size_0:
called_computation_lowered:
.L_overlay_start_0:
0x88: {  	s2 =	sld [smem:$0x3FD9]  }
0x89: {  	s3 =	sld [smem:$0x3FFE];
	_ =	sdelay $0x1  }
0x8a: {  	s1 =	srdreg.scid  }
0x8b: {  	s0 =	sand.u32 $0x1, s1  }
0x8c: {  	s14 =	sshll.u32 s0, $0xA;
	s2 =	sadd.s32 s3, s2  }
0x8d: {  	s2 =	sadd.s32 s2, s14  }
0x8e: {  	[smem:$0x3FC6] =	sst s2  }
0x8f: {  	_ = 	snop  }
0x90: {  	s2 =	sld [smem:$0x3FD0];
	_ =	sdelay $0x2  }
0x91: {  	s4 =	simm.s32 $0xA;
	s5 =	simm.s32 $0x10;
	s15 =	sld [smem:$0x3FC8]  }
0x92: {  	[smem:s5], [sflag:s4] =	dma.local [hbm:s2], $0x1  }
0x93: {  	_ =	swait.eq [sflag:s4], $0x1  }
0x94: {  	[sflag:s4] =	ssyncset.done $0x0  }
0x95: {  	[sflag:s4] =	ssyncadd.s32 $0xFFFFFFFF  }
0x96: {  	s16 =	sld [smem:$0x10];
	(tm) =	ssettm $0x1  }
0x97: {  	s17 =	sld [smem:$0x3FFB];
	_ =	sdelay $0x3  }
0x98: {  	_ =	strace s17  }
0x99: {  	s4 =	sld [smem:$0x3FFC];
	_ =	sdelay $0x3  }
0x9a: {  	_ =	strace s4  }
0x9b: {  	s4 =	sld [smem:$0x3FFD];
	_ =	sdelay $0x3  }
0x9c: {  	_ =	strace s4  }
0x9d: {  	_ =	strace $0x8FFFFFFF  }
0x9e: {  	s18 =	sld [smem:$0x3FDB];
	_ =	sdelay $0x1  }
0x9f: {  	s19 =	simm.s32 $_scs_section_size  }
0xa0: {  	s6 =	simm.s32 $_size__tile_overlayer_lowered;
	s7 =	simm.s32 $_tile_overlayer_lowered  }
0xa1: {  	s22 =	simm.s32 $0x1BFF;
	s21 =	sshll.u32 s7, $0x1;
	s4 =	sadd.s32 s19, s18  }
0xa2: {  	s8 =	simm.s32 $0x0;
	s20 =	sshll.u32 s6, $0x1;
	s6 =	sadd.s32 s21, s4  }
0xa3: {  	[timem:s8], [sflag:s22] =	dma.local [hbm:s6], s20  }
0xa4: {  	_ =	swait.ge [sflag:s22], s20  }
0xa5: {  	s5 =	ssub.s32 $0x0, s20;
	[sflag:s22] =	ssyncset.done $0x0  }
0xa6: {  	[sflag:s22] =	ssyncadd.s32 s5;
	_ =	sdelay $0x1  }
0xa7: {  	s23 =	simm.s32 $0x1B8B  }
0xa8: {  	_ =	swait.ge [sflag:s23], $0x1  }
0xa9: {  	[sflag:s23] =	ssyncset.done $0x0  }
0xaa: {  	s25 =	simm.s32 $0x1B8E;
	s24 =	sld [smem:$0x3FFE];
	[sflag:s23] =	ssyncadd.s32 $0xFFFFFFFF  }
0xab: {  	s26 =	simm.s32 $execute0_lowered;
	[smem:$0x3FD2] =	sst s25  }
0xac: {  	s6 =	sshll.u32 s26, $0x1;
	_ =	strace $0x80000046;
	[dreg:$0x1] =	wrdreg $0xFFFFFFFF  }
0xad: {  	s28 =	simm.s32 $_size_execute0_lowered;
	s4 =	sadd.s32 s4, s6;
	[dreg:$0x0] =	wrdreg $0x0  }
0xae: {  	s6 =	sshll.u32 s28, $0x1;
	[dreg:$0x2] =	wrdreg s4  }
0xaf: {  	[dreg:$0x3] =	wrdreg s6  }
0xb0: {  	[dreg:$0x4] =	wrdreg $0xC0  }
0xb1: {  	_ =	task [dreg:s8], $0x5FFFF  }
0xb2: {  	[dreg:$0x1] =	wrdreg $0xFFFFFFFF  }
0xb3: {  	[dreg:$0x0] =	wrdreg $0x60  }
0xb4: {  	[dreg:$0x2] =	wrdreg s15  }
0xb5: {  	[dreg:$0x3] =	wrdreg s24  }
0xb6: {  	[dreg:$0x4] =	wrdreg s16  }
0xb7: {  	[dreg:$0x5] =	wrdreg $0x9  }
0xb8: {  	_ =	task.clear_ibuf [dreg:s8], $0x6FFFF;
	_ =	strace $0x90000046  }
0xb9: {  	s29 =	simm.s32 $0x9;
	_ =	strace $0x80000048  }
0xba: {  	_ =	swait.ge [sflag:s29], $0x1  }
0xbb: {  	[sflag:s29] =	ssyncadd.s32 $0xFFFFFFFF  }
0xbc: {  	_ =	strace $0x90000048  }
0xbd: {  	_ =	sfence  }
0xbe: {  	s30 =	sld [smem:$0x0];
	_ =	sdelay $0x2  }
0xbf: {  	s31 =	sshll.u32 s1, $0xD;
	s1 =	sshrl.u32 s1, $0x2  }
0xc0: {  	s3 =	sand.u32 $0x4000, s31;
	s1 =	sadd.s32 s1, s30  }
0xc1: {  	s0 =	sor.u32 s3, s0;
	s1 =	sshll.u32 s1, $0x11  }
0xc2: {  	s0 =	sor.u32 s1, s0  }
0xc3: {  	s0 =	sadd.s32 $0x8F2B, s0  }
0xc4: {  	[sflag:s0] =	ssyncadd.remote.s32 $0x1  }
0xc5: {  	_ =	sfence.sel $0xFFFF  }
0xc6: {  	[dreg:$0x0] =	wrdreg $0xFFFFFFFF;
	(pc) =	sbr.abs _section_cstart, $3  }
0xc7: {  	[dreg:$0x1] =	wrdreg $0xFFFFFFFF  }
0xc8: {  	_ =	task.clear_ibuf [dreg:s8], $0x2FFFF;
	_ =	strace $0x9FFFFFFF  }
0xc9: {  	(tm) =	ssettm $0x7FFFFFFF  }
tec
execute0_lowered:
.L_overlay_start_1:
0x0: {  	(tag) =	ssettag $0x1  }
0x1: {  	s1 =	rddreg [dreg:$0x0]  }
0x2: {  	s4 =	rddreg [dreg:$0x1]  }
0x3: {  	s5 =	rddreg [dreg:$0x2];
	s3 =	srdreg.scid  }
0x4: {  	s0 =	rddreg [dreg:$0x3];
	s2 =	stileid.u32;
	s10 =	simm.s32 $0x1080  }
0x5: {  	s11 =	simm.s32 $0x1880;
	s12 =	simm.s32 $0x2080;
	s13 =	simm.s32 $0x2880  }
0x6: {  	s14 =	simm.s32 $0x3080;
	s15 =	simm.s32 $0x3880;
	s16 =	simm.s32 $0x4080  }
0x7: {  	s17 =	simm.s32 $0x4880;
	s18 =	simm.s32 $0x5080;
	s19 =	simm.s32 $0x5880  }
0x8: {  	s20 =	simm.s32 $0x6080;
	s21 =	simm.s32 $0x6880;
	s22 =	simm.s32 $0x7080  }
0x9: {  	s23 =	simm.s32 $0x7880;
	s24 =	simm.s32 $0x1;
	s25 =	simm.s32 $0x0  }
0xa: {  	s6 =	sand.u32 $0x1, s3;
	s3 =	simm.s32 $0x0;
	s7 =	sshll.u32 s2, $0xB  }
0xb: {  	s31 =	sshll.u32 s2, $0x10;
	s8 =	sshll.u32 s6, $0xA;
	[smem:$0x7FF] =	sst s3  }
0xc: {  	s29 =	ssub.s32 $0x2, s6;
	s5 =	sadd.s32 s31, s5;
	s6 =	sshll.u32 s6, $0xF  }
0xd: {  	s7 =	sor.u32 s8, s7;
	_ =	strace $0x80000047;
	s9 =	sshrl.u32 s29, $0x1  }
0xe: {  	v2 =	vlaneseq.u32;
	s5 =	sadd.s32 s6, s5;
	s8 =	simm.s32 $0x80;
	s7 =	sshrl.u32 s7, $0x3  }
0xf: {  	vm0 =	vmmov $0xffff;
	v1 =	vshrl.u32 v2, $0x3;
	s30 =	ssub.s32 s29, s9;
	s9 =	simm.s32 $0x880;
	s7 =	sadd.s32 s7, s4  }
0x10: {  	v0 =	vand.u32 $0x7, v2;
	v2 =	vor.u32 $0x8, v2;
	v1 =	vmul.u32 $0x8, v1;
	s4 =	smax.u32 s30, $0x1;
	s6 =	sadd.s32 $0x800, s7;
	s7 =	simm.s32 $0x2  }
.LBB2_1:
0x11: {  	s26 =	smov.u32 s5;
	s28 =	simm.s32 $0x0  }
.LBB2_2:
0x12: {  	s29 =	sadd.s32 s28, s6  }
0x13: {  	[tilespmem:s3], [sflag:$0x2] =	stream.linear.gather [hbm4b:s29+s3], $0x80, $0x38;
	[tilespmem:$0x8080] =	vst v63  }
0x14: {  	_ =	swait.ge [sflag:s7], $0x80  }
0x15: {  	[sflag:s7] =	ssyncset.done $0x0  }
0x16: {  	[sflag:s7] =	ssyncadd.s32 $0xFFFFFF80  }
0x17: {  	v3 =	vld [tilespmem:$0x0];
	_ =	sdelay $0x4  }
0x18: {  	v4 =	vshll.u32 v3, $0x1  }
0x19: {  	v3 =	vand.u32 $0x7, v3;
	v4 =	vand.u32 $0xFFFFFFF0, v4  }
0x1a: {  	v3 =	vor.u32 v3, v4  }
0x1b: {  	v4 =	vperm.xlane v3, v0;
	_ =	sdelay $0x1  }
0x1c: {  	v3 =	vperm.xlane v3, v2;
	v4 =	vadd.s32 v1, v4;
	_ =	sdelay $0x1  }
0x1d: {  	v3 =	vadd.s32 v1, v3;
	_ =	sdelay $0x2  }
0x1e: {  	[tilespmem:s8], [sflag:$0x1] =	stream.indirect_vreg.gather [hbm4b:s1+s3], $0x80, v4, vm0, $0xb8;
	[tilespmem:$0x8080] =	vst v63  }
0x1f: {  	_ = 	snop  }
0x20: {  	[tilespmem:s9], [sflag:$0x1] =	stream.indirect_vreg.gather [hbm4b:s1+s3], $0x80, v3, vm0, $0xb8;
	[tilespmem:$0x8080] =	vst v63  }
0x21: {  	v3 =	vld [tilespmem:$0x10];
	_ =	sdelay $0x4  }
0x22: {  	v57 =	vshll.u32 v3, $0x1  }
0x23: {  	v3 =	vand.u32 $0x7, v3;
	v4 =	vand.u32 $0xFFFFFFF0, v57  }
0x24: {  	v3 =	vor.u32 v3, v4  }
0x25: {  	v4 =	vperm.xlane v3, v0;
	_ =	sdelay $0x1  }
0x26: {  	v3 =	vperm.xlane v3, v2;
	v4 =	vadd.s32 v1, v4;
	_ =	sdelay $0x1  }
0x27: {  	v3 =	vadd.s32 v1, v3;
	_ =	sdelay $0x2  }
0x28: {  	[tilespmem:s10], [sflag:$0x1] =	stream.indirect_vreg.gather [hbm4b:s1+s3], $0x80, v4, vm0, $0xb8;
	[tilespmem:$0x8080] =	vst v63  }
0x29: {  	_ = 	snop  }
0x2a: {  	[tilespmem:s11], [sflag:$0x1] =	stream.indirect_vreg.gather [hbm4b:s1+s3], $0x80, v3, vm0, $0xb8;
	[tilespmem:$0x8080] =	vst v63  }
0x2b: {  	v3 =	vld [tilespmem:$0x20];
	_ =	sdelay $0x4  }
0x2c: {  	v58 =	vshll.u32 v3, $0x1  }
0x2d: {  	v3 =	vand.u32 $0x7, v3;
	v4 =	vand.u32 $0xFFFFFFF0, v58  }
0x2e: {  	v3 =	vor.u32 v3, v4  }
0x2f: {  	v4 =	vperm.xlane v3, v0;
	_ =	sdelay $0x1  }
0x30: {  	v3 =	vperm.xlane v3, v2;
	v4 =	vadd.s32 v1, v4;
	_ =	sdelay $0x1  }
0x31: {  	v3 =	vadd.s32 v1, v3;
	_ =	sdelay $0x2  }
0x32: {  	[tilespmem:s12], [sflag:$0x1] =	stream.indirect_vreg.gather [hbm4b:s1+s3], $0x80, v4, vm0, $0xb8;
	[tilespmem:$0x8080] =	vst v63  }
0x33: {  	_ = 	snop  }
0x34: {  	[tilespmem:s13], [sflag:$0x1] =	stream.indirect_vreg.gather [hbm4b:s1+s3], $0x80, v3, vm0, $0xb8;
	[tilespmem:$0x8080] =	vst v63  }
0x35: {  	v3 =	vld [tilespmem:$0x30];
	_ =	sdelay $0x4  }
0x36: {  	v59 =	vshll.u32 v3, $0x1  }
0x37: {  	v3 =	vand.u32 $0x7, v3;
	v4 =	vand.u32 $0xFFFFFFF0, v59  }
0x38: {  	v3 =	vor.u32 v3, v4  }
0x39: {  	v4 =	vperm.xlane v3, v0;
	_ =	sdelay $0x1  }
0x3a: {  	v3 =	vperm.xlane v3, v2;
	v4 =	vadd.s32 v1, v4;
	_ =	sdelay $0x1  }
0x3b: {  	v3 =	vadd.s32 v1, v3;
	_ =	sdelay $0x2  }
0x3c: {  	[tilespmem:s14], [sflag:$0x1] =	stream.indirect_vreg.gather [hbm4b:s1+s3], $0x80, v4, vm0, $0xb8;
	[tilespmem:$0x8080] =	vst v63  }
0x3d: {  	_ = 	snop  }
0x3e: {  	[tilespmem:s15], [sflag:$0x1] =	stream.indirect_vreg.gather [hbm4b:s1+s3], $0x80, v3, vm0, $0xb8;
	[tilespmem:$0x8080] =	vst v63  }
0x3f: {  	v3 =	vld [tilespmem:$0x40];
	_ =	sdelay $0x4  }
0x40: {  	v60 =	vshll.u32 v3, $0x1  }
0x41: {  	v3 =	vand.u32 $0x7, v3;
	v4 =	vand.u32 $0xFFFFFFF0, v60  }
0x42: {  	v3 =	vor.u32 v3, v4  }
0x43: {  	v4 =	vperm.xlane v3, v0;
	_ =	sdelay $0x1  }
0x44: {  	v3 =	vperm.xlane v3, v2;
	v4 =	vadd.s32 v1, v4;
	_ =	sdelay $0x1  }
0x45: {  	v3 =	vadd.s32 v1, v3;
	_ =	sdelay $0x2  }
0x46: {  	[tilespmem:s16], [sflag:$0x1] =	stream.indirect_vreg.gather [hbm4b:s1+s3], $0x80, v4, vm0, $0xb8;
	[tilespmem:$0x8080] =	vst v63  }
0x47: {  	_ = 	snop  }
0x48: {  	[tilespmem:s17], [sflag:$0x1] =	stream.indirect_vreg.gather [hbm4b:s1+s3], $0x80, v3, vm0, $0xb8;
	[tilespmem:$0x8080] =	vst v63  }
0x49: {  	v3 =	vld [tilespmem:$0x50];
	_ =	sdelay $0x4  }
0x4a: {  	v61 =	vshll.u32 v3, $0x1  }
0x4b: {  	v3 =	vand.u32 $0x7, v3;
	v4 =	vand.u32 $0xFFFFFFF0, v61  }
0x4c: {  	v3 =	vor.u32 v3, v4  }
0x4d: {  	v4 =	vperm.xlane v3, v0;
	_ =	sdelay $0x1  }
0x4e: {  	v3 =	vperm.xlane v3, v2;
	v4 =	vadd.s32 v1, v4;
	_ =	sdelay $0x1  }
0x4f: {  	v3 =	vadd.s32 v1, v3;
	_ =	sdelay $0x2  }
0x50: {  	[tilespmem:s18], [sflag:$0x1] =	stream.indirect_vreg.gather [hbm4b:s1+s3], $0x80, v4, vm0, $0xb8;
	[tilespmem:$0x8080] =	vst v63  }
0x51: {  	_ = 	snop  }
0x52: {  	[tilespmem:s19], [sflag:$0x1] =	stream.indirect_vreg.gather [hbm4b:s1+s3], $0x80, v3, vm0, $0xb8;
	[tilespmem:$0x8080] =	vst v63  }
0x53: {  	v3 =	vld [tilespmem:$0x60];
	_ =	sdelay $0x4  }
0x54: {  	v62 =	vshll.u32 v3, $0x1  }
0x55: {  	v3 =	vand.u32 $0x7, v3;
	v4 =	vand.u32 $0xFFFFFFF0, v62  }
0x56: {  	v3 =	vor.u32 v3, v4  }
0x57: {  	v4 =	vperm.xlane v3, v0;
	_ =	sdelay $0x1  }
0x58: {  	v3 =	vperm.xlane v3, v2;
	v4 =	vadd.s32 v1, v4;
	_ =	sdelay $0x1  }
0x59: {  	v3 =	vadd.s32 v1, v3;
	_ =	sdelay $0x2  }
0x5a: {  	[tilespmem:s20], [sflag:$0x1] =	stream.indirect_vreg.gather [hbm4b:s1+s3], $0x80, v4, vm0, $0xb8;
	[tilespmem:$0x8080] =	vst v63  }
0x5b: {  	_ = 	snop  }
0x5c: {  	[tilespmem:s21], [sflag:$0x1] =	stream.indirect_vreg.gather [hbm4b:s1+s3], $0x80, v3, vm0, $0xb8;
	[tilespmem:$0x8080] =	vst v63  }
0x5d: {  	v3 =	vld [tilespmem:$0x70];
	_ =	sdelay $0x4  }
0x5e: {  	v63 =	vshll.u32 v3, $0x1  }
0x5f: {  	v3 =	vand.u32 $0x7, v3;
	v4 =	vand.u32 $0xFFFFFFF0, v63  }
0x60: {  	v3 =	vor.u32 v3, v4  }
0x61: {  	v4 =	vperm.xlane v3, v0;
	_ =	sdelay $0x1  }
0x62: {  	v3 =	vperm.xlane v3, v2;
	v4 =	vadd.s32 v1, v4;
	_ =	sdelay $0x1  }
0x63: {  	v3 =	vadd.s32 v1, v3;
	_ =	sdelay $0x2  }
0x64: {  	[tilespmem:s22], [sflag:$0x1] =	stream.indirect_vreg.gather [hbm4b:s1+s3], $0x80, v4, vm0, $0xb8;
	[tilespmem:$0x8080] =	vst v63  }
0x65: {  	_ = 	snop  }
0x66: {  	[tilespmem:s23], [sflag:$0x1] =	stream.indirect_vreg.gather [hbm4b:s1+s3], $0x80, v3, vm0, $0xb8;
	[tilespmem:$0x8080] =	vst v63  }
0x67: {  	_ =	swait.ge [sflag:s24], $0x8000  }
0x68: {  	p0 =	sne.s32 s28, $0x70;
	[sflag:s24] =	ssyncset.done $0x0  }
.Ltmp0:
0x69: {  	[sflag:s24] =	ssyncadd.s32 $0xFFFF8000;
	(pc) =	sbr.rel @p0 .LBB2_2-.Ltmp0, $4  }
0x6a: {  	[hbm4b:s26+s3] =	stream.linear.scatter [tilespmem:s8], [sflag:$0x2], $0x8000, $0x38;
	[tilespmem:$0x8080] =	vst v63  }
0x6b: {  	_ =	swait.ge [sflag:s7], $0x8000  }
0x6c: {  	[sflag:s7] =	ssyncset.done $0x0  }
0x6d: {  	s28 =	sadd.s32 $0x10, s28;
	s26 =	sadd.s32 $0x1000, s26;
	[sflag:s7] =	ssyncadd.s32 $0xFFFF8000  }
0x6e: {  	s25 =	sadd.s32 $0x1, s25  }
0x6f: {  	p0 =	sne.s32 s25, s4  }
.Ltmp1:
0x70: {  	_ = 	snop;
	(pc) =	sbr.rel @p0 .LBB2_1-.Ltmp1, $1  }
0x71: {  	_ =	sdelay $0x3  }
0x72: {  	_ =	sfence.sel $0x180000  }
0x73: {  	[bflag:$0x0] =	sbarrier.arrive $0xFFFF  }
0x74: {  	p0 =	sne.s32 s2, $0x0;
	_ =	strace $0x90000047  }
0x75: {  	s0 =	sadd.s32 @!p0 $0x100000, s0;
	[bflag:$0x2] =	sbarrier.arrive $0xFFFF  }
0x76: {  	[sflag:s0] =	ssyncadd.tile.s32 @!p0 $0x1;
	_ =	shalt  }
.Lfunc_end2:
_tile_overlayer_lowered:
.L_overlay_start_2:
0x77: {  	(tag) =	ssettag $0x2  }
0x78: {  	s0 =	rddreg [dreg:$0x0];
	s2 =	stileid.u32  }
0x79: {  	s1 =	rddreg [dreg:$0x1];
	p0 =	sne.s32 s2, $0x0  }
0x7a: {  	s3 =	rddreg [dreg:$0x2];
	[bflag:$0x3] =	sbarrier.arrive $0xFFFF;
	s2 =	simm.s32 @!p0 $0x1C02  }
0x7b: {  	[timem:s3], [sflag:s2] =	dma.local @!p0 [hbm:s0], s1  }
0x7c: {  	s0 =	simm.s32 @!p0 $0x2  }
0x7d: {  	_ =	swait.ge @!p0 [sflag:s0], s1  }
0x7e: {  	s1 =	ssub.s32 @!p0 $0x0, s1;
	[sflag:s0] =	ssyncset.done @!p0 $0x0  }
0x7f: {  	[sflag:s0] =	ssyncadd.s32 @!p0 s1  }
0x80: {  	[bflag:$0x3] =	sbarrier.arrive $0xFFFF  }
0x81: {  	_ =	shalt  }

</sc_bundles>
